<compile_context>
chip_gen: v7x
topology: tpu7x:2x2x1
jax: 0.10.2.dev20260603
libtpu: 0.0.44.dev20260713+nightly
codegen_flags: <defaults>
</compile_context>

<pallas_src>
import jax
import jax.numpy as jnp
from jax import lax
from jax.experimental import pallas as pl
from jax.experimental.pallas import tpu as pltpu
from jax.experimental.pallas import tpu_sc as plsc

_PQ, _PH, _PD = 192, 384, 768
_B, _T = 256, 196
_NROWS = _B * _T
_NC, _NS = 2, 16
_NW = _NC * _NS
_RPW = _NROWS // _NW
_R = 32
_CH = _RPW // _R
_NV = _PD // 16
_NIN, _NOUT = 3, 2


def _compute_chunk(in_v, out_v):

  @plsc.parallel_loop(0, _NV, 1)
  def _v(v):
    p = lax.iota(jnp.int32, 16) + 16 * v
    m = p - _PQ
    src = jnp.where((p >= _PQ) & (p < _PH + _PQ),
                    _PQ + (m >> 1) + (m & 1) * _PQ, p)
    lo = 16 * v

    @plsc.parallel_loop(0, _R, 1, unroll=8)
    def _row(r):
      rv = jnp.full((16,), r, jnp.int32)
      out_v[r, pl.ds(lo, 16)] = plsc.load_gather(in_v, [rv, src])


def _body(x_hbm, o_hbm, in0, in1, in2, out0, out1, si0, si1, si2, so0, so1):
  wid = lax.axis_index("s") * _NC + lax.axis_index("c")
  ins, outs = (in0, in1, in2), (out0, out1)
  sis, sos = (si0, si1, si2), (so0, so1)

  def _row0(c):
    return (c * _NW + wid) * _R

  def _wait_read(i):
    pltpu.make_async_copy(x_hbm.at[pl.ds(0, _R)], ins[i], sis[i]).wait()

  def _wait_write(i):
    pltpu.make_async_copy(outs[i], o_hbm.at[pl.ds(0, _R)], sos[i]).wait()

  def _start_read(c, i):
    pltpu.async_copy(x_hbm.at[pl.ds(_row0(c), _R)], ins[i], sis[i])

  def _start_write(c, i):
    pltpu.async_copy(outs[i], o_hbm.at[pl.ds(_row0(c), _R)], sos[i])

  for c in range(_NIN):
    _start_read(c, c)

  def group(g, carry):
    for b in range(6):
      c = 6 * g + b
      bi, bo = b % _NIN, b % _NOUT
      _wait_read(bi)

      @pl.when(c >= _NOUT)
      def _():
        _wait_write(bo)

      _compute_chunk(ins[bi], outs[bo])

      @pl.when(c + _NIN < _CH)
      def _():
        _start_read(c + _NIN, bi)

      _start_write(c, bo)

    return carry

  lax.fori_loop(0, _CH // 6, group, 0)

  c_last = _CH - 1
  _wait_read(0)
  _wait_write(0)
  _compute_chunk(in0, out0)
  _start_write(c_last, 0)

  _wait_write(0)
  _wait_write(1)


def kernel(inputs):
  x = inputs.transpose(1, 0, 2).reshape(_NROWS, _PD)
  mesh = plsc.VectorSubcoreMesh(
      core_axis_name="c", subcore_axis_name="s",
      num_cores=_NC, num_subcores=_NS)
  out = pl.kernel(
      _body,
      out_type=jax.ShapeDtypeStruct((_NROWS, _PD), jnp.float32),
      mesh=mesh,
      compiler_params=pltpu.CompilerParams(
          needs_layout_passes=False, disable_bounds_checks=True),
      scratch_types=[
          pltpu.VMEM((_R, _PD), jnp.float32),
          pltpu.VMEM((_R, _PD), jnp.float32),
          pltpu.VMEM((_R, _PD), jnp.float32),
          pltpu.VMEM((_R, _PD), jnp.float32),
          pltpu.VMEM((_R, _PD), jnp.float32),
          pltpu.SemaphoreType.DMA,
          pltpu.SemaphoreType.DMA,
          pltpu.SemaphoreType.DMA,
          pltpu.SemaphoreType.DMA,
          pltpu.SemaphoreType.DMA,
      ],
  )(x)
  return out.reshape(_T, _B, _PD).transpose(1, 0, 2)

# --- scband reference (transcript-rebuilt; emitter-appended) ---
"""Pipeline reference for scband-mix-acc-gyro-15539191677818 (READ-ONLY COPY).

The authoritative reference and input builder live on the scoring server;
editing this copy changes nothing except your own understanding.
"""

import jax, jax.numpy as jnp
import numpy as np

PROJECTION_QUARTER = 192
PROJECTION_HALF = 384
PROJECTION_DIM = 768


def _build_new_arrangement(pq, ph, pd):
    # mixedAccGyroIndex = reshape(transpose(stack([arange(pq, ph), arange(ph, ph+pq)])), [-1])
    mixed = np.stack([np.arange(pq, ph), np.arange(ph, ph + pq)], axis=0).T.reshape(-1)
    three_fourth = ph + pq
    new_arrangement = np.concatenate([np.arange(0, pq), mixed, np.arange(three_fourth, pd)], axis=0)
    return new_arrangement.astype(np.int32)


def setup_inputs(seed: int = 0) -> dict:
    key = jax.random.key(seed)
    inputs = jax.random.normal(key, (256, 196, PROJECTION_DIM), dtype=jnp.float32)
    return {"inputs": inputs}


def reference(inputs) -> jnp.ndarray:
    idx = jnp.asarray(_build_new_arrangement(PROJECTION_QUARTER, PROJECTION_HALF, PROJECTION_DIM))
    # tf.gather(inputs, newArrangement, axis=2)
    return jnp.take(inputs, idx, axis=2)

if __name__ == "__main__":
    import jax
    _d = setup_inputs()
    print(jax.jit(kernel)(*tuple(_d.values())))

</pallas_src>

<mosaic_0001>
#map = affine_map<(d0, d1) -> (0, 0)>
module attributes {stable_mosaic.version = 14 : i64} {
  func.func @_body(%arg0: i32, %arg1: i32, %arg2: memref<50176x768xf32, #tpu.memory_space<hbm>>, %arg3: memref<50176x768xf32, #tpu.memory_space<hbm>>, %arg4: memref<32x768xf32, #tpu.memory_space<vmem>>, %arg5: memref<32x768xf32, #tpu.memory_space<vmem>>, %arg6: memref<32x768xf32, #tpu.memory_space<vmem>>, %arg7: memref<32x768xf32, #tpu.memory_space<vmem>>, %arg8: memref<32x768xf32, #tpu.memory_space<vmem>>, %arg9: memref<!tpu.dma_semaphore, #tpu.memory_space<semaphore_mem>>, %arg10: memref<!tpu.dma_semaphore, #tpu.memory_space<semaphore_mem>>, %arg11: memref<!tpu.dma_semaphore, #tpu.memory_space<semaphore_mem>>, %arg12: memref<!tpu.dma_semaphore, #tpu.memory_space<semaphore_mem>>, %arg13: memref<!tpu.dma_semaphore, #tpu.memory_space<semaphore_mem>>) attributes {dimension_semantics = [#tpu.dimension_semantics<core_parallel>, #tpu.dimension_semantics<subcore_parallel>], iteration_bounds = array<i64: 2, 16>, scalar_prefetch = 0 : i64, scratch_operands = 10 : i64, tpu.core_type = #tpu.core_type<sc_vector_subcore>, window_params = [{transform_indices = #map}, {transform_indices = #map}]} {
    %mul3A = arith.constant 2 : i32
    %mul3A_0 = arith.muli %arg1, %mul3A : i32
    %add3A = arith.addi %mul3A_0, %arg0 : i32
    %add3A_1 = arith.constant 0 : i32
    %add3A_2 = arith.addi %add3A_1, %add3A : i32
    %mul3A_3 = arith.constant 32 : i32
    %mul3A_4 = arith.muli %add3A_2, %mul3A_3 : i32
    %dma_start3A = arith.constant 0 : i32
    %dma_start3A_5 = tpu.memref_slice %arg2[%mul3A_4, %dma_start3A] : memref<50176x768xf32, #tpu.memory_space<hbm>> -> memref<32x768xf32, #tpu.memory_space<hbm>>
    %dma_start3A_6 = arith.constant 0 : i32
    %dma_start3A_7 = tpu.memref_slice %arg2[%mul3A_4, %dma_start3A_6] : memref<50176x768xf32, #tpu.memory_space<hbm>> -> memref<32x768xf32, #tpu.memory_space<hbm>>
    tpu.enqueue_dma source(%dma_start3A_7 : memref<32x768xf32, #tpu.memory_space<hbm>>) target(%arg4 : memref<32x768xf32, #tpu.memory_space<vmem>>) target_semaphore(%arg9 : memref<!tpu.dma_semaphore, #tpu.memory_space<semaphore_mem>>)
    %add3A_8 = arith.constant 32 : i32
    %add3A_9 = arith.addi %add3A_8, %add3A : i32
    %mul3A_10 = arith.constant 32 : i32
    %mul3A_11 = arith.muli %add3A_9, %mul3A_10 : i32
    %dma_start3A_12 = arith.constant 0 : i32
    %dma_start3A_13 = tpu.memref_slice %arg2[%mul3A_11, %dma_start3A_12] : memref<50176x768xf32, #tpu.memory_space<hbm>> -> memref<32x768xf32, #tpu.memory_space<hbm>>
    %dma_start3A_14 = arith.constant 0 : i32
    %dma_start3A_15 = tpu.memref_slice %arg2[%mul3A_11, %dma_start3A_14] : memref<50176x768xf32, #tpu.memory_space<hbm>> -> memref<32x768xf32, #tpu.memory_space<hbm>>
    tpu.enqueue_dma source(%dma_start3A_15 : memref<32x768xf32, #tpu.memory_space<hbm>>) target(%arg5 : memref<32x768xf32, #tpu.memory_space<vmem>>) target_semaphore(%arg10 : memref<!tpu.dma_semaphore, #tpu.memory_space<semaphore_mem>>)
    %add3A_16 = arith.constant 64 : i32
    %add3A_17 = arith.addi %add3A_16, %add3A : i32
    %mul3A_18 = arith.constant 32 : i32
    %mul3A_19 = arith.muli %add3A_17, %mul3A_18 : i32
    %dma_start3A_20 = arith.constant 0 : i32
    %dma_start3A_21 = tpu.memref_slice %arg2[%mul3A_19, %dma_start3A_20] : memref<50176x768xf32, #tpu.memory_space<hbm>> -> memref<32x768xf32, #tpu.memory_space<hbm>>
    %dma_start3A_22 = arith.constant 0 : i32
    %dma_start3A_23 = tpu.memref_slice %arg2[%mul3A_19, %dma_start3A_22] : memref<50176x768xf32, #tpu.memory_space<hbm>> -> memref<32x768xf32, #tpu.memory_space<hbm>>
    tpu.enqueue_dma source(%dma_start3A_23 : memref<32x768xf32, #tpu.memory_space<hbm>>) target(%arg6 : memref<32x768xf32, #tpu.memory_space<vmem>>) target_semaphore(%arg11 : memref<!tpu.dma_semaphore, #tpu.memory_space<semaphore_mem>>)
    %scan3A = arith.constant 0 : i32
    %scan3A_24 = arith.constant 0 : i32
    %scan3A_25 = arith.constant 8 : i32
    %scan3A_26 = arith.addi %scan3A_24, %scan3A_25 : i32
    %scan3A_27 = arith.constant 1 : i32
    scf.for %scan3A_62 = %scan3A_24 to %scan3A_26 step %scan3A_27  : i32 {
      %mul3A_63 = arith.constant 6 : i32
      %mul3A_64 = arith.muli %mul3A_63, %scan3A_62 : i32
      %add3A_65 = arith.constant 0 : i32
      %add3A_66 = arith.addi %mul3A_64, %add3A_65 : i32
      %dma_wait3A_67 = arith.constant 0 : i32
      %dma_wait3A_68 = arith.constant 0 : i32
      %dma_wait3A_69 = tpu.memref_slice %arg2[%dma_wait3A_67, %dma_wait3A_68] : memref<50176x768xf32, #tpu.memory_space<hbm>> -> memref<32x768xf32, #tpu.memory_space<hbm>>
      %dma_wait3A_70 = arith.constant 0 : i32
      %dma_wait3A_71 = arith.constant 0 : i32
      %dma_wait3A_72 = tpu.memref_slice %arg2[%dma_wait3A_70, %dma_wait3A_71] : memref<50176x768xf32, #tpu.memory_space<hbm>> -> memref<32x768xf32, #tpu.memory_space<hbm>>
      tpu.wait_dma2 semaphore(%arg9 : memref<!tpu.dma_semaphore, #tpu.memory_space<semaphore_mem>>) src(%dma_wait3A_72 : memref<32x768xf32, #tpu.memory_space<hbm>>) dst(%arg4 : memref<32x768xf32, #tpu.memory_space<vmem>>)
      %ge3A = arith.constant 2 : i32
      %ge3A_73 = arith.cmpi sge, %add3A_66, %ge3A : i32
      %convert_element_type3A = arith.extui %ge3A_73 : i1 to i32
      %cond3A = arith.constant 0 : i32
      %cond3A_74 = arith.cmpi ne, %convert_element_type3A, %cond3A : i32
      scf.if %cond3A_74 {
        %dma_wait3A_263 = arith.constant 0 : i32
        %dma_wait3A_264 = arith.constant 0 : i32
        %dma_wait3A_265 = tpu.memref_slice %arg3[%dma_wait3A_263, %dma_wait3A_264] : memref<50176x768xf32, #tpu.memory_space<hbm>> -> memref<32x768xf32, #tpu.memory_space<hbm>>
        %dma_wait3A_266 = arith.constant 0 : i32
        %dma_wait3A_267 = arith.constant 0 : i32
        %dma_wait3A_268 = tpu.memref_slice %arg3[%dma_wait3A_266, %dma_wait3A_267] : memref<50176x768xf32, #tpu.memory_space<hbm>> -> memref<32x768xf32, #tpu.memory_space<hbm>>
        tpu.wait_dma2 semaphore(%arg12 : memref<!tpu.dma_semaphore, #tpu.memory_space<semaphore_mem>>) src(%arg7 : memref<32x768xf32, #tpu.memory_space<vmem>>) dst(%dma_wait3A_268 : memref<32x768xf32, #tpu.memory_space<hbm>>)
      } else {
      }
      %parallel_loop3A_75 = arith.constant 0 : i32
      %parallel_loop3A_76 = arith.constant 48 : i32
      %parallel_loop3A_77 = arith.constant 1 : i32
      scf.for %parallel_loop3A_263 = %parallel_loop3A_75 to %parallel_loop3A_76 step %parallel_loop3A_77  : i32 {
        %parallel_loop3A_264 = tpu.iota {dimensions = array<i32: 0>} : vector<16xi32>
        %parallel_loop3A_265 = arith.constant 16 : i32
        %parallel_loop3A_266 = arith.muli %parallel_loop3A_265, %parallel_loop3A_263 : i32
        %parallel_loop3A_267 = vector.broadcast %parallel_loop3A_266 : i32 to vector<16xi32>
        %parallel_loop3A_268 = arith.addi %parallel_loop3A_264, %parallel_loop3A_267 : vector<16xi32>
        %parallel_loop3A_269 = arith.constant 192 : i32
        %parallel_loop3A_270 = vector.broadcast %parallel_loop3A_269 : i32 to vector<16xi32>
        %parallel_loop3A_271 = arith.subi %parallel_loop3A_268, %parallel_loop3A_270 : vector<16xi32>
        %parallel_loop3A_272 = arith.constant 192 : i32
        %parallel_loop3A_273 = vector.broadcast %parallel_loop3A_272 : i32 to vector<16xi32>
        %parallel_loop3A_274 = arith.cmpi sge, %parallel_loop3A_268, %parallel_loop3A_273 : vector<16xi32>
        %parallel_loop3A_275 = arith.constant 576 : i32
        %parallel_loop3A_276 = vector.broadcast %parallel_loop3A_275 : i32 to vector<16xi32>
        %parallel_loop3A_277 = arith.cmpi slt, %parallel_loop3A_268, %parallel_loop3A_276 : vector<16xi32>
        %parallel_loop3A_278 = arith.andi %parallel_loop3A_274, %parallel_loop3A_277 : vector<16xi1>
        %parallel_loop3A_279 = arith.constant 1 : i32
        %parallel_loop3A_280 = vector.broadcast %parallel_loop3A_279 : i32 to vector<16xi32>
        %parallel_loop3A_281 = arith.shrsi %parallel_loop3A_271, %parallel_loop3A_280 : vector<16xi32>
        %parallel_loop3A_282 = arith.constant 192 : i32
        %parallel_loop3A_283 = vector.broadcast %parallel_loop3A_282 : i32 to vector<16xi32>
        %parallel_loop3A_284 = arith.addi %parallel_loop3A_283, %parallel_loop3A_281 : vector<16xi32>
        %parallel_loop3A_285 = arith.constant 1 : i32
        %parallel_loop3A_286 = vector.broadcast %parallel_loop3A_285 : i32 to vector<16xi32>
        %parallel_loop3A_287 = arith.andi %parallel_loop3A_271, %parallel_loop3A_286 : vector<16xi32>
        %parallel_loop3A_288 = arith.constant 192 : i32
        %parallel_loop3A_289 = vector.broadcast %parallel_loop3A_288 : i32 to vector<16xi32>
        %parallel_loop3A_290 = arith.muli %parallel_loop3A_287, %parallel_loop3A_289 : vector<16xi32>
        %parallel_loop3A_291 = arith.addi %parallel_loop3A_284, %parallel_loop3A_290 : vector<16xi32>
        %parallel_loop3A_292 = arith.select %parallel_loop3A_278, %parallel_loop3A_291, %parallel_loop3A_268 : vector<16xi1>, vector<16xi32>
        %parallel_loop3A_293 = arith.constant 16 : i32
        %parallel_loop3A_294 = arith.muli %parallel_loop3A_293, %parallel_loop3A_263 : i32
        %parallel_loop3A_295 = arith.constant 0 : i32
        %parallel_loop3A_296 = arith.constant 32 : i32
        %parallel_loop3A_297 = arith.constant 1 : i32
        scf.for %parallel_loop3A_298 = %parallel_loop3A_295 to %parallel_loop3A_296 step %parallel_loop3A_297  : i32 {
          %parallel_loop3A_299 = vector.broadcast %parallel_loop3A_298 : i32 to vector<16xi32>
          %parallel_loop3A_300 = tpu.vector_load_idx %arg4[%parallel_loop3A_299, %parallel_loop3A_292] : memref<32x768xf32, #tpu.memory_space<vmem>>[vector<16xi32>, vector<16xi32>], vector<16xf32>,
          %parallel_loop3A_301 = arith.index_cast %parallel_loop3A_298 : i32 to index
          %parallel_loop3A_302 = arith.index_cast %parallel_loop3A_294 : i32 to index
          %parallel_loop3A_303 = tpu.vector_load %arg7[%parallel_loop3A_301, %parallel_loop3A_302] {strides = array<i32>} : memref<32x768xf32, #tpu.memory_space<vmem>>, vector<16xf32>,
          tpu.vector_store %arg7[%parallel_loop3A_301, %parallel_loop3A_302], %parallel_loop3A_300 {strides = array<i32>} : memref<32x768xf32, #tpu.memory_space<vmem>>, vector<16xf32>,
        } {sc.loop_unroll_factor = 8 : i64, sc.parallel_access}
      } {sc.loop_unroll_factor = 1 : i64, sc.parallel_access}
      %add3A_78 = arith.constant 3 : i32
      %add3A_79 = arith.addi %add3A_66, %add3A_78 : i32
      %lt3A = arith.constant 49 : i32
      %lt3A_80 = arith.cmpi slt, %add3A_79, %lt3A : i32
      %convert_element_type3A_81 = arith.extui %lt3A_80 : i1 to i32
      %cond3A_82 = arith.constant 0 : i32
      %cond3A_83 = arith.cmpi ne, %convert_element_type3A_81, %cond3A_82 : i32
      scf.if %cond3A_83 {
        %add3A_263 = arith.constant 3 : i32
        %add3A_264 = arith.addi %add3A_66, %add3A_263 : i32
        %mul3A_265 = arith.constant 32 : i32
        %mul3A_266 = arith.muli %add3A_264, %mul3A_265 : i32
        %add3A_267 = arith.addi %mul3A_266, %add3A : i32
        %mul3A_268 = arith.constant 32 : i32
        %mul3A_269 = arith.muli %add3A_267, %mul3A_268 : i32
        %dma_start3A_270 = arith.constant 0 : i32
        %dma_start3A_271 = tpu.memref_slice %arg2[%mul3A_269, %dma_start3A_270] : memref<50176x768xf32, #tpu.memory_space<hbm>> -> memref<32x768xf32, #tpu.memory_space<hbm>>
        %dma_start3A_272 = arith.constant 0 : i32
        %dma_start3A_273 = tpu.memref_slice %arg2[%mul3A_269, %dma_start3A_272] : memref<50176x768xf32, #tpu.memory_space<hbm>> -> memref<32x768xf32, #tpu.memory_space<hbm>>
        tpu.enqueue_dma source(%dma_start3A_273 : memref<32x768xf32, #tpu.memory_space<hbm>>) target(%arg4 : memref<32x768xf32, #tpu.memory_space<vmem>>) target_semaphore(%arg9 : memref<!tpu.dma_semaphore, #tpu.memory_space<semaphore_mem>>)
      } else {
      }
      %mul3A_84 = arith.constant 32 : i32
      %mul3A_85 = arith.muli %add3A_66, %mul3A_84 : i32
      %add3A_86 = arith.addi %mul3A_85, %add3A : i32
      %mul3A_87 = arith.constant 32 : i32
      %mul3A_88 = arith.muli %add3A_86, %mul3A_87 : i32
      %dma_start3A_89 = arith.constant 0 : i32
      %dma_start3A_90 = tpu.memref_slice %arg3[%mul3A_88, %dma_start3A_89] : memref<50176x768xf32, #tpu.memory_space<hbm>> -> memref<32x768xf32, #tpu.memory_space<hbm>>
      %dma_start3A_91 = arith.constant 0 : i32
      %dma_start3A_92 = tpu.memref_slice %arg3[%mul3A_88, %dma_start3A_91] : memref<50176x768xf32, #tpu.memory_space<hbm>> -> memref<32x768xf32, #tpu.memory_space<hbm>>
      tpu.enqueue_dma source(%arg7 : memref<32x768xf32, #tpu.memory_space<vmem>>) target(%dma_start3A_92 : memref<32x768xf32, #tpu.memory_space<hbm>>) target_semaphore(%arg12 : memref<!tpu.dma_semaphore, #tpu.memory_space<semaphore_mem>>)
      %mul3A_93 = arith.constant 6 : i32
      %mul3A_94 = arith.muli %mul3A_93, %scan3A_62 : i32
      %add3A_95 = arith.constant 1 : i32
      %add3A_96 = arith.addi %mul3A_94, %add3A_95 : i32
      %dma_wait3A_97 = arith.constant 0 : i32
      %dma_wait3A_98 = arith.constant 0 : i32
      %dma_wait3A_99 = tpu.memref_slice %arg2[%dma_wait3A_97, %dma_wait3A_98] : memref<50176x768xf32, #tpu.memory_space<hbm>> -> memref<32x768xf32, #tpu.memory_space<hbm>>
      %dma_wait3A_100 = arith.constant 0 : i32
      %dma_wait3A_101 = arith.constant 0 : i32
      %dma_wait3A_102 = tpu.memref_slice %arg2[%dma_wait3A_100, %dma_wait3A_101] : memref<50176x768xf32, #tpu.memory_space<hbm>> -> memref<32x768xf32, #tpu.memory_space<hbm>>
      tpu.wait_dma2 semaphore(%arg10 : memref<!tpu.dma_semaphore, #tpu.memory_space<semaphore_mem>>) src(%dma_wait3A_102 : memref<32x768xf32, #tpu.memory_space<hbm>>) dst(%arg5 : memref<32x768xf32, #tpu.memory_space<vmem>>)
      %ge3A_103 = arith.constant 2 : i32
      %ge3A_104 = arith.cmpi sge, %add3A_96, %ge3A_103 : i32
      %convert_element_type3A_105 = arith.extui %ge3A_104 : i1 to i32
      %cond3A_106 = arith.constant 0 : i32
      %cond3A_107 = arith.cmpi ne, %convert_element_type3A_105, %cond3A_106 : i32
      scf.if %cond3A_107 {
        %dma_wait3A_263 = arith.constant 0 : i32
        %dma_wait3A_264 = arith.constant 0 : i32
        %dma_wait3A_265 = tpu.memref_slice %arg3[%dma_wait3A_263, %dma_wait3A_264] : memref<50176x768xf32, #tpu.memory_space<hbm>> -> memref<32x768xf32, #tpu.memory_space<hbm>>
        %dma_wait3A_266 = arith.constant 0 : i32
        %dma_wait3A_267 = arith.constant 0 : i32
        %dma_wait3A_268 = tpu.memref_slice %arg3[%dma_wait3A_266, %dma_wait3A_267] : memref<50176x768xf32, #tpu.memory_space<hbm>> -> memref<32x768xf32, #tpu.memory_space<hbm>>
        tpu.wait_dma2 semaphore(%arg13 : memref<!tpu.dma_semaphore, #tpu.memory_space<semaphore_mem>>) src(%arg8 : memref<32x768xf32, #tpu.memory_space<vmem>>) dst(%dma_wait3A_268 : memref<32x768xf32, #tpu.memory_space<hbm>>)
      } else {
      }
      %parallel_loop3A_108 = arith.constant 0 : i32
      %parallel_loop3A_109 = arith.constant 48 : i32
      %parallel_loop3A_110 = arith.constant 1 : i32
      scf.for %parallel_loop3A_263 = %parallel_loop3A_108 to %parallel_loop3A_109 step %parallel_loop3A_110  : i32 {
        %parallel_loop3A_264 = tpu.iota {dimensions = array<i32: 0>} : vector<16xi32>
        %parallel_loop3A_265 = arith.constant 16 : i32
        %parallel_loop3A_266 = arith.muli %parallel_loop3A_265, %parallel_loop3A_263 : i32
        %parallel_loop3A_267 = vector.broadcast %parallel_loop3A_266 : i32 to vector<16xi32>
        %parallel_loop3A_268 = arith.addi %parallel_loop3A_264, %parallel_loop3A_267 : vector<16xi32>
        %parallel_loop3A_269 = arith.constant 192 : i32
        %parallel_loop3A_270 = vector.broadcast %parallel_loop3A_269 : i32 to vector<16xi32>
        %parallel_loop3A_271 = arith.subi %parallel_loop3A_268, %parallel_loop3A_270 : vector<16xi32>
        %parallel_loop3A_272 = arith.constant 192 : i32
        %parallel_loop3A_273 = vector.broadcast %parallel_loop3A_272 : i32 to vector<16xi32>
        %parallel_loop3A_274 = arith.cmpi sge, %parallel_loop3A_268, %parallel_loop3A_273 : vector<16xi32>
        %parallel_loop3A_275 = arith.constant 576 : i32
        %parallel_loop3A_276 = vector.broadcast %parallel_loop3A_275 : i32 to vector<16xi32>
        %parallel_loop3A_277 = arith.cmpi slt, %parallel_loop3A_268, %parallel_loop3A_276 : vector<16xi32>
        %parallel_loop3A_278 = arith.andi %parallel_loop3A_274, %parallel_loop3A_277 : vector<16xi1>
        %parallel_loop3A_279 = arith.constant 1 : i32
        %parallel_loop3A_280 = vector.broadcast %parallel_loop3A_279 : i32 to vector<16xi32>
        %parallel_loop3A_281 = arith.shrsi %parallel_loop3A_271, %parallel_loop3A_280 : vector<16xi32>
        %parallel_loop3A_282 = arith.constant 192 : i32
        %parallel_loop3A_283 = vector.broadcast %parallel_loop3A_282 : i32 to vector<16xi32>
        %parallel_loop3A_284 = arith.addi %parallel_loop3A_283, %parallel_loop3A_281 : vector<16xi32>
        %parallel_loop3A_285 = arith.constant 1 : i32
        %parallel_loop3A_286 = vector.broadcast %parallel_loop3A_285 : i32 to vector<16xi32>
        %parallel_loop3A_287 = arith.andi %parallel_loop3A_271, %parallel_loop3A_286 : vector<16xi32>
        %parallel_loop3A_288 = arith.constant 192 : i32
        %parallel_loop3A_289 = vector.broadcast %parallel_loop3A_288 : i32 to vector<16xi32>
        %parallel_loop3A_290 = arith.muli %parallel_loop3A_287, %parallel_loop3A_289 : vector<16xi32>
        %parallel_loop3A_291 = arith.addi %parallel_loop3A_284, %parallel_loop3A_290 : vector<16xi32>
        %parallel_loop3A_292 = arith.select %parallel_loop3A_278, %parallel_loop3A_291, %parallel_loop3A_268 : vector<16xi1>, vector<16xi32>
        %parallel_loop3A_293 = arith.constant 16 : i32
        %parallel_loop3A_294 = arith.muli %parallel_loop3A_293, %parallel_loop3A_263 : i32
        %parallel_loop3A_295 = arith.constant 0 : i32
        %parallel_loop3A_296 = arith.constant 32 : i32
        %parallel_loop3A_297 = arith.constant 1 : i32
        scf.for %parallel_loop3A_298 = %parallel_loop3A_295 to %parallel_loop3A_296 step %parallel_loop3A_297  : i32 {
          %parallel_loop3A_299 = vector.broadcast %parallel_loop3A_298 : i32 to vector<16xi32>
          %parallel_loop3A_300 = tpu.vector_load_idx %arg5[%parallel_loop3A_299, %parallel_loop3A_292] : memref<32x768xf32, #tpu.memory_space<vmem>>[vector<16xi32>, vector<16xi32>], vector<16xf32>,
          %parallel_loop3A_301 = arith.index_cast %parallel_loop3A_298 : i32 to index
          %parallel_loop3A_302 = arith.index_cast %parallel_loop3A_294 : i32 to index
          %parallel_loop3A_303 = tpu.vector_load %arg8[%parallel_loop3A_301, %parallel_loop3A_302] {strides = array<i32>} : memref<32x768xf32, #tpu.memory_space<vmem>>, vector<16xf32>,
          tpu.vector_store %arg8[%parallel_loop3A_301, %parallel_loop3A_302], %parallel_loop3A_300 {strides = array<i32>} : memref<32x768xf32, #tpu.memory_space<vmem>>, vector<16xf32>,
        } {sc.loop_unroll_factor = 8 : i64, sc.parallel_access}
      } {sc.loop_unroll_factor = 1 : i64, sc.parallel_access}
      %add3A_111 = arith.constant 3 : i32
      %add3A_112 = arith.addi %add3A_96, %add3A_111 : i32
      %lt3A_113 = arith.constant 49 : i32
      %lt3A_114 = arith.cmpi slt, %add3A_112, %lt3A_113 : i32
      %convert_element_type3A_115 = arith.extui %lt3A_114 : i1 to i32
      %cond3A_116 = arith.constant 0 : i32
      %cond3A_117 = arith.cmpi ne, %convert_element_type3A_115, %cond3A_116 : i32
      scf.if %cond3A_117 {
        %add3A_263 = arith.constant 3 : i32
        %add3A_264 = arith.addi %add3A_96, %add3A_263 : i32
        %mul3A_265 = arith.constant 32 : i32
        %mul3A_266 = arith.muli %add3A_264, %mul3A_265 : i32
        %add3A_267 = arith.addi %mul3A_266, %add3A : i32
        %mul3A_268 = arith.constant 32 : i32
        %mul3A_269 = arith.muli %add3A_267, %mul3A_268 : i32
        %dma_start3A_270 = arith.constant 0 : i32
        %dma_start3A_271 = tpu.memref_slice %arg2[%mul3A_269, %dma_start3A_270] : memref<50176x768xf32, #tpu.memory_space<hbm>> -> memref<32x768xf32, #tpu.memory_space<hbm>>
        %dma_start3A_272 = arith.constant 0 : i32
        %dma_start3A_273 = tpu.memref_slice %arg2[%mul3A_269, %dma_start3A_272] : memref<50176x768xf32, #tpu.memory_space<hbm>> -> memref<32x768xf32, #tpu.memory_space<hbm>>
        tpu.enqueue_dma source(%dma_start3A_273 : memref<32x768xf32, #tpu.memory_space<hbm>>) target(%arg5 : memref<32x768xf32, #tpu.memory_space<vmem>>) target_semaphore(%arg10 : memref<!tpu.dma_semaphore, #tpu.memory_space<semaphore_mem>>)
      } else {
      }
      %mul3A_118 = arith.constant 32 : i32
      %mul3A_119 = arith.muli %add3A_96, %mul3A_118 : i32
      %add3A_120 = arith.addi %mul3A_119, %add3A : i32
      %mul3A_121 = arith.constant 32 : i32
      %mul3A_122 = arith.muli %add3A_120, %mul3A_121 : i32
      %dma_start3A_123 = arith.constant 0 : i32
      %dma_start3A_124 = tpu.memref_slice %arg3[%mul3A_122, %dma_start3A_123] : memref<50176x768xf32, #tpu.memory_space<hbm>> -> memref<32x768xf32, #tpu.memory_space<hbm>>
      %dma_start3A_125 = arith.constant 0 : i32
      %dma_start3A_126 = tpu.memref_slice %arg3[%mul3A_122, %dma_start3A_125] : memref<50176x768xf32, #tpu.memory_space<hbm>> -> memref<32x768xf32, #tpu.memory_space<hbm>>
      tpu.enqueue_dma source(%arg8 : memref<32x768xf32, #tpu.memory_space<vmem>>) target(%dma_start3A_126 : memref<32x768xf32, #tpu.memory_space<hbm>>) target_semaphore(%arg13 : memref<!tpu.dma_semaphore, #tpu.memory_space<semaphore_mem>>)
      %mul3A_127 = arith.constant 6 : i32
      %mul3A_128 = arith.muli %mul3A_127, %scan3A_62 : i32
      %add3A_129 = arith.constant 2 : i32
      %add3A_130 = arith.addi %mul3A_128, %add3A_129 : i32
      %dma_wait3A_131 = arith.constant 0 : i32
      %dma_wait3A_132 = arith.constant 0 : i32
      %dma_wait3A_133 = tpu.memref_slice %arg2[%dma_wait3A_131, %dma_wait3A_132] : memref<50176x768xf32, #tpu.memory_space<hbm>> -> memref<32x768xf32, #tpu.memory_space<hbm>>
      %dma_wait3A_134 = arith.constant 0 : i32
      %dma_wait3A_135 = arith.constant 0 : i32
      %dma_wait3A_136 = tpu.memref_slice %arg2[%dma_wait3A_134, %dma_wait3A_135] : memref<50176x768xf32, #tpu.memory_space<hbm>> -> memref<32x768xf32, #tpu.memory_space<hbm>>
      tpu.wait_dma2 semaphore(%arg11 : memref<!tpu.dma_semaphore, #tpu.memory_space<semaphore_mem>>) src(%dma_wait3A_136 : memref<32x768xf32, #tpu.memory_space<hbm>>) dst(%arg6 : memref<32x768xf32, #tpu.memory_space<vmem>>)
      %ge3A_137 = arith.constant 2 : i32
      %ge3A_138 = arith.cmpi sge, %add3A_130, %ge3A_137 : i32
      %convert_element_type3A_139 = arith.extui %ge3A_138 : i1 to i32
      %cond3A_140 = arith.constant 0 : i32
      %cond3A_141 = arith.cmpi ne, %convert_element_type3A_139, %cond3A_140 : i32
      scf.if %cond3A_141 {
        %dma_wait3A_263 = arith.constant 0 : i32
        %dma_wait3A_264 = arith.constant 0 : i32
        %dma_wait3A_265 = tpu.memref_slice %arg3[%dma_wait3A_263, %dma_wait3A_264] : memref<50176x768xf32, #tpu.memory_space<hbm>> -> memref<32x768xf32, #tpu.memory_space<hbm>>
        %dma_wait3A_266 = arith.constant 0 : i32
        %dma_wait3A_267 = arith.constant 0 : i32
        %dma_wait3A_268 = tpu.memref_slice %arg3[%dma_wait3A_266, %dma_wait3A_267] : memref<50176x768xf32, #tpu.memory_space<hbm>> -> memref<32x768xf32, #tpu.memory_space<hbm>>
        tpu.wait_dma2 semaphore(%arg12 : memref<!tpu.dma_semaphore, #tpu.memory_space<semaphore_mem>>) src(%arg7 : memref<32x768xf32, #tpu.memory_space<vmem>>) dst(%dma_wait3A_268 : memref<32x768xf32, #tpu.memory_space<hbm>>)
      } else {
      }
      %parallel_loop3A_142 = arith.constant 0 : i32
      %parallel_loop3A_143 = arith.constant 48 : i32
      %parallel_loop3A_144 = arith.constant 1 : i32
      scf.for %parallel_loop3A_263 = %parallel_loop3A_142 to %parallel_loop3A_143 step %parallel_loop3A_144  : i32 {
        %parallel_loop3A_264 = tpu.iota {dimensions = array<i32: 0>} : vector<16xi32>
        %parallel_loop3A_265 = arith.constant 16 : i32
        %parallel_loop3A_266 = arith.muli %parallel_loop3A_265, %parallel_loop3A_263 : i32
        %parallel_loop3A_267 = vector.broadcast %parallel_loop3A_266 : i32 to vector<16xi32>
        %parallel_loop3A_268 = arith.addi %parallel_loop3A_264, %parallel_loop3A_267 : vector<16xi32>
        %parallel_loop3A_269 = arith.constant 192 : i32
        %parallel_loop3A_270 = vector.broadcast %parallel_loop3A_269 : i32 to vector<16xi32>
        %parallel_loop3A_271 = arith.subi %parallel_loop3A_268, %parallel_loop3A_270 : vector<16xi32>
        %parallel_loop3A_272 = arith.constant 192 : i32
        %parallel_loop3A_273 = vector.broadcast %parallel_loop3A_272 : i32 to vector<16xi32>
        %parallel_loop3A_274 = arith.cmpi sge, %parallel_loop3A_268, %parallel_loop3A_273 : vector<16xi32>
        %parallel_loop3A_275 = arith.constant 576 : i32
        %parallel_loop3A_276 = vector.broadcast %parallel_loop3A_275 : i32 to vector<16xi32>
        %parallel_loop3A_277 = arith.cmpi slt, %parallel_loop3A_268, %parallel_loop3A_276 : vector<16xi32>
        %parallel_loop3A_278 = arith.andi %parallel_loop3A_274, %parallel_loop3A_277 : vector<16xi1>
        %parallel_loop3A_279 = arith.constant 1 : i32
        %parallel_loop3A_280 = vector.broadcast %parallel_loop3A_279 : i32 to vector<16xi32>
        %parallel_loop3A_281 = arith.shrsi %parallel_loop3A_271, %parallel_loop3A_280 : vector<16xi32>
        %parallel_loop3A_282 = arith.constant 192 : i32
        %parallel_loop3A_283 = vector.broadcast %parallel_loop3A_282 : i32 to vector<16xi32>
        %parallel_loop3A_284 = arith.addi %parallel_loop3A_283, %parallel_loop3A_281 : vector<16xi32>
        %parallel_loop3A_285 = arith.constant 1 : i32
        %parallel_loop3A_286 = vector.broadcast %parallel_loop3A_285 : i32 to vector<16xi32>
        %parallel_loop3A_287 = arith.andi %parallel_loop3A_271, %parallel_loop3A_286 : vector<16xi32>
        %parallel_loop3A_288 = arith.constant 192 : i32
        %parallel_loop3A_289 = vector.broadcast %parallel_loop3A_288 : i32 to vector<16xi32>
        %parallel_loop3A_290 = arith.muli %parallel_loop3A_287, %parallel_loop3A_289 : vector<16xi32>
        %parallel_loop3A_291 = arith.addi %parallel_loop3A_284, %parallel_loop3A_290 : vector<16xi32>
        %parallel_loop3A_292 = arith.select %parallel_loop3A_278, %parallel_loop3A_291, %parallel_loop3A_268 : vector<16xi1>, vector<16xi32>
        %parallel_loop3A_293 = arith.constant 16 : i32
        %parallel_loop3A_294 = arith.muli %parallel_loop3A_293, %parallel_loop3A_263 : i32
        %parallel_loop3A_295 = arith.constant 0 : i32
        %parallel_loop3A_296 = arith.constant 32 : i32
        %parallel_loop3A_297 = arith.constant 1 : i32
        scf.for %parallel_loop3A_298 = %parallel_loop3A_295 to %parallel_loop3A_296 step %parallel_loop3A_297  : i32 {
          %parallel_loop3A_299 = vector.broadcast %parallel_loop3A_298 : i32 to vector<16xi32>
          %parallel_loop3A_300 = tpu.vector_load_idx %arg6[%parallel_loop3A_299, %parallel_loop3A_292] : memref<32x768xf32, #tpu.memory_space<vmem>>[vector<16xi32>, vector<16xi32>], vector<16xf32>,
          %parallel_loop3A_301 = arith.index_cast %parallel_loop3A_298 : i32 to index
          %parallel_loop3A_302 = arith.index_cast %parallel_loop3A_294 : i32 to index
          %parallel_loop3A_303 = tpu.vector_load %arg7[%parallel_loop3A_301, %parallel_loop3A_302] {strides = array<i32>} : memref<32x768xf32, #tpu.memory_space<vmem>>, vector<16xf32>,
          tpu.vector_store %arg7[%parallel_loop3A_301, %parallel_loop3A_302], %parallel_loop3A_300 {strides = array<i32>} : memref<32x768xf32, #tpu.memory_space<vmem>>, vector<16xf32>,
        } {sc.loop_unroll_factor = 8 : i64, sc.parallel_access}
      } {sc.loop_unroll_factor = 1 : i64, sc.parallel_access}
      %add3A_145 = arith.constant 3 : i32
      %add3A_146 = arith.addi %add3A_130, %add3A_145 : i32
      %lt3A_147 = arith.constant 49 : i32
      %lt3A_148 = arith.cmpi slt, %add3A_146, %lt3A_147 : i32
      %convert_element_type3A_149 = arith.extui %lt3A_148 : i1 to i32
      %cond3A_150 = arith.constant 0 : i32
      %cond3A_151 = arith.cmpi ne, %convert_element_type3A_149, %cond3A_150 : i32
      scf.if %cond3A_151 {
        %add3A_263 = arith.constant 3 : i32
        %add3A_264 = arith.addi %add3A_130, %add3A_263 : i32
        %mul3A_265 = arith.constant 32 : i32
        %mul3A_266 = arith.muli %add3A_264, %mul3A_265 : i32
        %add3A_267 = arith.addi %mul3A_266, %add3A : i32
        %mul3A_268 = arith.constant 32 : i32
        %mul3A_269 = arith.muli %add3A_267, %mul3A_268 : i32
        %dma_start3A_270 = arith.constant 0 : i32
        %dma_start3A_271 = tpu.memref_slice %arg2[%mul3A_269, %dma_start3A_270] : memref<50176x768xf32, #tpu.memory_space<hbm>> -> memref<32x768xf32, #tpu.memory_space<hbm>>
        %dma_start3A_272 = arith.constant 0 : i32
        %dma_start3A_273 = tpu.memref_slice %arg2[%mul3A_269, %dma_start3A_272] : memref<50176x768xf32, #tpu.memory_space<hbm>> -> memref<32x768xf32, #tpu.memory_space<hbm>>
        tpu.enqueue_dma source(%dma_start3A_273 : memref<32x768xf32, #tpu.memory_space<hbm>>) target(%arg6 : memref<32x768xf32, #tpu.memory_space<vmem>>) target_semaphore(%arg11 : memref<!tpu.dma_semaphore, #tpu.memory_space<semaphore_mem>>)
      } else {
      }
      %mul3A_152 = arith.constant 32 : i32
      %mul3A_153 = arith.muli %add3A_130, %mul3A_152 : i32
      %add3A_154 = arith.addi %mul3A_153, %add3A : i32
      %mul3A_155 = arith.constant 32 : i32
      %mul3A_156 = arith.muli %add3A_154, %mul3A_155 : i32
      %dma_start3A_157 = arith.constant 0 : i32
      %dma_start3A_158 = tpu.memref_slice %arg3[%mul3A_156, %dma_start3A_157] : memref<50176x768xf32, #tpu.memory_space<hbm>> -> memref<32x768xf32, #tpu.memory_space<hbm>>
      %dma_start3A_159 = arith.constant 0 : i32
      %dma_start3A_160 = tpu.memref_slice %arg3[%mul3A_156, %dma_start3A_159] : memref<50176x768xf32, #tpu.memory_space<hbm>> -> memref<32x768xf32, #tpu.memory_space<hbm>>
      tpu.enqueue_dma source(%arg7 : memref<32x768xf32, #tpu.memory_space<vmem>>) target(%dma_start3A_160 : memref<32x768xf32, #tpu.memory_space<hbm>>) target_semaphore(%arg12 : memref<!tpu.dma_semaphore, #tpu.memory_space<semaphore_mem>>)
      %mul3A_161 = arith.constant 6 : i32
      %mul3A_162 = arith.muli %mul3A_161, %scan3A_62 : i32
      %add3A_163 = arith.constant 3 : i32
      %add3A_164 = arith.addi %mul3A_162, %add3A_163 : i32
      %dma_wait3A_165 = arith.constant 0 : i32
      %dma_wait3A_166 = arith.constant 0 : i32
      %dma_wait3A_167 = tpu.memref_slice %arg2[%dma_wait3A_165, %dma_wait3A_166] : memref<50176x768xf32, #tpu.memory_space<hbm>> -> memref<32x768xf32, #tpu.memory_space<hbm>>
      %dma_wait3A_168 = arith.constant 0 : i32
      %dma_wait3A_169 = arith.constant 0 : i32
      %dma_wait3A_170 = tpu.memref_slice %arg2[%dma_wait3A_168, %dma_wait3A_169] : memref<50176x768xf32, #tpu.memory_space<hbm>> -> memref<32x768xf32, #tpu.memory_space<hbm>>
      tpu.wait_dma2 semaphore(%arg9 : memref<!tpu.dma_semaphore, #tpu.memory_space<semaphore_mem>>) src(%dma_wait3A_170 : memref<32x768xf32, #tpu.memory_space<hbm>>) dst(%arg4 : memref<32x768xf32, #tpu.memory_space<vmem>>)
      %ge3A_171 = arith.constant 2 : i32
      %ge3A_172 = arith.cmpi sge, %add3A_164, %ge3A_171 : i32
      %convert_element_type3A_173 = arith.extui %ge3A_172 : i1 to i32
      %cond3A_174 = arith.constant 0 : i32
      %cond3A_175 = arith.cmpi ne, %convert_element_type3A_173, %cond3A_174 : i32
      scf.if %cond3A_175 {
        %dma_wait3A_263 = arith.constant 0 : i32
        %dma_wait3A_264 = arith.constant 0 : i32
        %dma_wait3A_265 = tpu.memref_slice %arg3[%dma_wait3A_263, %dma_wait3A_264] : memref<50176x768xf32, #tpu.memory_space<hbm>> -> memref<32x768xf32, #tpu.memory_space<hbm>>
        %dma_wait3A_266 = arith.constant 0 : i32
        %dma_wait3A_267 = arith.constant 0 : i32
        %dma_wait3A_268 = tpu.memref_slice %arg3[%dma_wait3A_266, %dma_wait3A_267] : memref<50176x768xf32, #tpu.memory_space<hbm>> -> memref<32x768xf32, #tpu.memory_space<hbm>>
        tpu.wait_dma2 semaphore(%arg13 : memref<!tpu.dma_semaphore, #tpu.memory_space<semaphore_mem>>) src(%arg8 : memref<32x768xf32, #tpu.memory_space<vmem>>) dst(%dma_wait3A_268 : memref<32x768xf32, #tpu.memory_space<hbm>>)
      } else {
      }
      %parallel_loop3A_176 = arith.constant 0 : i32
      %parallel_loop3A_177 = arith.constant 48 : i32
      %parallel_loop3A_178 = arith.constant 1 : i32
      scf.for %parallel_loop3A_263 = %parallel_loop3A_176 to %parallel_loop3A_177 step %parallel_loop3A_178  : i32 {
        %parallel_loop3A_264 = tpu.iota {dimensions = array<i32: 0>} : vector<16xi32>
        %parallel_loop3A_265 = arith.constant 16 : i32
        %parallel_loop3A_266 = arith.muli %parallel_loop3A_265, %parallel_loop3A_263 : i32
        %parallel_loop3A_267 = vector.broadcast %parallel_loop3A_266 : i32 to vector<16xi32>
        %parallel_loop3A_268 = arith.addi %parallel_loop3A_264, %parallel_loop3A_267 : vector<16xi32>
        %parallel_loop3A_269 = arith.constant 192 : i32
        %parallel_loop3A_270 = vector.broadcast %parallel_loop3A_269 : i32 to vector<16xi32>
        %parallel_loop3A_271 = arith.subi %parallel_loop3A_268, %parallel_loop3A_270 : vector<16xi32>
        %parallel_loop3A_272 = arith.constant 192 : i32
        %parallel_loop3A_273 = vector.broadcast %parallel_loop3A_272 : i32 to vector<16xi32>
        %parallel_loop3A_274 = arith.cmpi sge, %parallel_loop3A_268, %parallel_loop3A_273 : vector<16xi32>
        %parallel_loop3A_275 = arith.constant 576 : i32
        %parallel_loop3A_276 = vector.broadcast %parallel_loop3A_275 : i32 to vector<16xi32>
        %parallel_loop3A_277 = arith.cmpi slt, %parallel_loop3A_268, %parallel_loop3A_276 : vector<16xi32>
        %parallel_loop3A_278 = arith.andi %parallel_loop3A_274, %parallel_loop3A_277 : vector<16xi1>
        %parallel_loop3A_279 = arith.constant 1 : i32
        %parallel_loop3A_280 = vector.broadcast %parallel_loop3A_279 : i32 to vector<16xi32>
        %parallel_loop3A_281 = arith.shrsi %parallel_loop3A_271, %parallel_loop3A_280 : vector<16xi32>
        %parallel_loop3A_282 = arith.constant 192 : i32
        %parallel_loop3A_283 = vector.broadcast %parallel_loop3A_282 : i32 to vector<16xi32>
        %parallel_loop3A_284 = arith.addi %parallel_loop3A_283, %parallel_loop3A_281 : vector<16xi32>
        %parallel_loop3A_285 = arith.constant 1 : i32
        %parallel_loop3A_286 = vector.broadcast %parallel_loop3A_285 : i32 to vector<16xi32>
        %parallel_loop3A_287 = arith.andi %parallel_loop3A_271, %parallel_loop3A_286 : vector<16xi32>
        %parallel_loop3A_288 = arith.constant 192 : i32
        %parallel_loop3A_289 = vector.broadcast %parallel_loop3A_288 : i32 to vector<16xi32>
        %parallel_loop3A_290 = arith.muli %parallel_loop3A_287, %parallel_loop3A_289 : vector<16xi32>
        %parallel_loop3A_291 = arith.addi %parallel_loop3A_284, %parallel_loop3A_290 : vector<16xi32>
        %parallel_loop3A_292 = arith.select %parallel_loop3A_278, %parallel_loop3A_291, %parallel_loop3A_268 : vector<16xi1>, vector<16xi32>
        %parallel_loop3A_293 = arith.constant 16 : i32
        %parallel_loop3A_294 = arith.muli %parallel_loop3A_293, %parallel_loop3A_263 : i32
        %parallel_loop3A_295 = arith.constant 0 : i32
        %parallel_loop3A_296 = arith.constant 32 : i32
        %parallel_loop3A_297 = arith.constant 1 : i32
        scf.for %parallel_loop3A_298 = %parallel_loop3A_295 to %parallel_loop3A_296 step %parallel_loop3A_297  : i32 {
          %parallel_loop3A_299 = vector.broadcast %parallel_loop3A_298 : i32 to vector<16xi32>
          %parallel_loop3A_300 = tpu.vector_load_idx %arg4[%parallel_loop3A_299, %parallel_loop3A_292] : memref<32x768xf32, #tpu.memory_space<vmem>>[vector<16xi32>, vector<16xi32>], vector<16xf32>,
          %parallel_loop3A_301 = arith.index_cast %parallel_loop3A_298 : i32 to index
          %parallel_loop3A_302 = arith.index_cast %parallel_loop3A_294 : i32 to index
          %parallel_loop3A_303 = tpu.vector_load %arg8[%parallel_loop3A_301, %parallel_loop3A_302] {strides = array<i32>} : memref<32x768xf32, #tpu.memory_space<vmem>>, vector<16xf32>,
          tpu.vector_store %arg8[%parallel_loop3A_301, %parallel_loop3A_302], %parallel_loop3A_300 {strides = array<i32>} : memref<32x768xf32, #tpu.memory_space<vmem>>, vector<16xf32>,
        } {sc.loop_unroll_factor = 8 : i64, sc.parallel_access}
      } {sc.loop_unroll_factor = 1 : i64, sc.parallel_access}
      %add3A_179 = arith.constant 3 : i32
      %add3A_180 = arith.addi %add3A_164, %add3A_179 : i32
      %lt3A_181 = arith.constant 49 : i32
      %lt3A_182 = arith.cmpi slt, %add3A_180, %lt3A_181 : i32
      %convert_element_type3A_183 = arith.extui %lt3A_182 : i1 to i32
      %cond3A_184 = arith.constant 0 : i32
      %cond3A_185 = arith.cmpi ne, %convert_element_type3A_183, %cond3A_184 : i32
      scf.if %cond3A_185 {
        %add3A_263 = arith.constant 3 : i32
        %add3A_264 = arith.addi %add3A_164, %add3A_263 : i32
        %mul3A_265 = arith.constant 32 : i32
        %mul3A_266 = arith.muli %add3A_264, %mul3A_265 : i32
        %add3A_267 = arith.addi %mul3A_266, %add3A : i32
        %mul3A_268 = arith.constant 32 : i32
        %mul3A_269 = arith.muli %add3A_267, %mul3A_268 : i32
        %dma_start3A_270 = arith.constant 0 : i32
        %dma_start3A_271 = tpu.memref_slice %arg2[%mul3A_269, %dma_start3A_270] : memref<50176x768xf32, #tpu.memory_space<hbm>> -> memref<32x768xf32, #tpu.memory_space<hbm>>
        %dma_start3A_272 = arith.constant 0 : i32
        %dma_start3A_273 = tpu.memref_slice %arg2[%mul3A_269, %dma_start3A_272] : memref<50176x768xf32, #tpu.memory_space<hbm>> -> memref<32x768xf32, #tpu.memory_space<hbm>>
        tpu.enqueue_dma source(%dma_start3A_273 : memref<32x768xf32, #tpu.memory_space<hbm>>) target(%arg4 : memref<32x768xf32, #tpu.memory_space<vmem>>) target_semaphore(%arg9 : memref<!tpu.dma_semaphore, #tpu.memory_space<semaphore_mem>>)
      } else {
      }
      %mul3A_186 = arith.constant 32 : i32
      %mul3A_187 = arith.muli %add3A_164, %mul3A_186 : i32
      %add3A_188 = arith.addi %mul3A_187, %add3A : i32
      %mul3A_189 = arith.constant 32 : i32
      %mul3A_190 = arith.muli %add3A_188, %mul3A_189 : i32
      %dma_start3A_191 = arith.constant 0 : i32
      %dma_start3A_192 = tpu.memref_slice %arg3[%mul3A_190, %dma_start3A_191] : memref<50176x768xf32, #tpu.memory_space<hbm>> -> memref<32x768xf32, #tpu.memory_space<hbm>>
      %dma_start3A_193 = arith.constant 0 : i32
      %dma_start3A_194 = tpu.memref_slice %arg3[%mul3A_190, %dma_start3A_193] : memref<50176x768xf32, #tpu.memory_space<hbm>> -> memref<32x768xf32, #tpu.memory_space<hbm>>
      tpu.enqueue_dma source(%arg8 : memref<32x768xf32, #tpu.memory_space<vmem>>) target(%dma_start3A_194 : memref<32x768xf32, #tpu.memory_space<hbm>>) target_semaphore(%arg13 : memref<!tpu.dma_semaphore, #tpu.memory_space<semaphore_mem>>)
      %mul3A_195 = arith.constant 6 : i32
      %mul3A_196 = arith.muli %mul3A_195, %scan3A_62 : i32
      %add3A_197 = arith.constant 4 : i32
      %add3A_198 = arith.addi %mul3A_196, %add3A_197 : i32
      %dma_wait3A_199 = arith.constant 0 : i32
      %dma_wait3A_200 = arith.constant 0 : i32
      %dma_wait3A_201 = tpu.memref_slice %arg2[%dma_wait3A_199, %dma_wait3A_200] : memref<50176x768xf32, #tpu.memory_space<hbm>> -> memref<32x768xf32, #tpu.memory_space<hbm>>
      %dma_wait3A_202 = arith.constant 0 : i32
      %dma_wait3A_203 = arith.constant 0 : i32
      %dma_wait3A_204 = tpu.memref_slice %arg2[%dma_wait3A_202, %dma_wait3A_203] : memref<50176x768xf32, #tpu.memory_space<hbm>> -> memref<32x768xf32, #tpu.memory_space<hbm>>
      tpu.wait_dma2 semaphore(%arg10 : memref<!tpu.dma_semaphore, #tpu.memory_space<semaphore_mem>>) src(%dma_wait3A_204 : memref<32x768xf32, #tpu.memory_space<hbm>>) dst(%arg5 : memref<32x768xf32, #tpu.memory_space<vmem>>)
      %ge3A_205 = arith.constant 2 : i32
      %ge3A_206 = arith.cmpi sge, %add3A_198, %ge3A_205 : i32
      %convert_element_type3A_207 = arith.extui %ge3A_206 : i1 to i32
      %cond3A_208 = arith.constant 0 : i32
      %cond3A_209 = arith.cmpi ne, %convert_element_type3A_207, %cond3A_208 : i32
      scf.if %cond3A_209 {
        %dma_wait3A_263 = arith.constant 0 : i32
        %dma_wait3A_264 = arith.constant 0 : i32
        %dma_wait3A_265 = tpu.memref_slice %arg3[%dma_wait3A_263, %dma_wait3A_264] : memref<50176x768xf32, #tpu.memory_space<hbm>> -> memref<32x768xf32, #tpu.memory_space<hbm>>
        %dma_wait3A_266 = arith.constant 0 : i32
        %dma_wait3A_267 = arith.constant 0 : i32
        %dma_wait3A_268 = tpu.memref_slice %arg3[%dma_wait3A_266, %dma_wait3A_267] : memref<50176x768xf32, #tpu.memory_space<hbm>> -> memref<32x768xf32, #tpu.memory_space<hbm>>
        tpu.wait_dma2 semaphore(%arg12 : memref<!tpu.dma_semaphore, #tpu.memory_space<semaphore_mem>>) src(%arg7 : memref<32x768xf32, #tpu.memory_space<vmem>>) dst(%dma_wait3A_268 : memref<32x768xf32, #tpu.memory_space<hbm>>)
      } else {
      }
      %parallel_loop3A_210 = arith.constant 0 : i32
      %parallel_loop3A_211 = arith.constant 48 : i32
      %parallel_loop3A_212 = arith.constant 1 : i32
      scf.for %parallel_loop3A_263 = %parallel_loop3A_210 to %parallel_loop3A_211 step %parallel_loop3A_212  : i32 {
        %parallel_loop3A_264 = tpu.iota {dimensions = array<i32: 0>} : vector<16xi32>
        %parallel_loop3A_265 = arith.constant 16 : i32
        %parallel_loop3A_266 = arith.muli %parallel_loop3A_265, %parallel_loop3A_263 : i32
        %parallel_loop3A_267 = vector.broadcast %parallel_loop3A_266 : i32 to vector<16xi32>
        %parallel_loop3A_268 = arith.addi %parallel_loop3A_264, %parallel_loop3A_267 : vector<16xi32>
        %parallel_loop3A_269 = arith.constant 192 : i32
        %parallel_loop3A_270 = vector.broadcast %parallel_loop3A_269 : i32 to vector<16xi32>
        %parallel_loop3A_271 = arith.subi %parallel_loop3A_268, %parallel_loop3A_270 : vector<16xi32>
        %parallel_loop3A_272 = arith.constant 192 : i32
        %parallel_loop3A_273 = vector.broadcast %parallel_loop3A_272 : i32 to vector<16xi32>
        %parallel_loop3A_274 = arith.cmpi sge, %parallel_loop3A_268, %parallel_loop3A_273 : vector<16xi32>
        %parallel_loop3A_275 = arith.constant 576 : i32
        %parallel_loop3A_276 = vector.broadcast %parallel_loop3A_275 : i32 to vector<16xi32>
        %parallel_loop3A_277 = arith.cmpi slt, %parallel_loop3A_268, %parallel_loop3A_276 : vector<16xi32>
        %parallel_loop3A_278 = arith.andi %parallel_loop3A_274, %parallel_loop3A_277 : vector<16xi1>
        %parallel_loop3A_279 = arith.constant 1 : i32
        %parallel_loop3A_280 = vector.broadcast %parallel_loop3A_279 : i32 to vector<16xi32>
        %parallel_loop3A_281 = arith.shrsi %parallel_loop3A_271, %parallel_loop3A_280 : vector<16xi32>
        %parallel_loop3A_282 = arith.constant 192 : i32
        %parallel_loop3A_283 = vector.broadcast %parallel_loop3A_282 : i32 to vector<16xi32>
        %parallel_loop3A_284 = arith.addi %parallel_loop3A_283, %parallel_loop3A_281 : vector<16xi32>
        %parallel_loop3A_285 = arith.constant 1 : i32
        %parallel_loop3A_286 = vector.broadcast %parallel_loop3A_285 : i32 to vector<16xi32>
        %parallel_loop3A_287 = arith.andi %parallel_loop3A_271, %parallel_loop3A_286 : vector<16xi32>
        %parallel_loop3A_288 = arith.constant 192 : i32
        %parallel_loop3A_289 = vector.broadcast %parallel_loop3A_288 : i32 to vector<16xi32>
        %parallel_loop3A_290 = arith.muli %parallel_loop3A_287, %parallel_loop3A_289 : vector<16xi32>
        %parallel_loop3A_291 = arith.addi %parallel_loop3A_284, %parallel_loop3A_290 : vector<16xi32>
        %parallel_loop3A_292 = arith.select %parallel_loop3A_278, %parallel_loop3A_291, %parallel_loop3A_268 : vector<16xi1>, vector<16xi32>
        %parallel_loop3A_293 = arith.constant 16 : i32
        %parallel_loop3A_294 = arith.muli %parallel_loop3A_293, %parallel_loop3A_263 : i32
        %parallel_loop3A_295 = arith.constant 0 : i32
        %parallel_loop3A_296 = arith.constant 32 : i32
        %parallel_loop3A_297 = arith.constant 1 : i32
        scf.for %parallel_loop3A_298 = %parallel_loop3A_295 to %parallel_loop3A_296 step %parallel_loop3A_297  : i32 {
          %parallel_loop3A_299 = vector.broadcast %parallel_loop3A_298 : i32 to vector<16xi32>
          %parallel_loop3A_300 = tpu.vector_load_idx %arg5[%parallel_loop3A_299, %parallel_loop3A_292] : memref<32x768xf32, #tpu.memory_space<vmem>>[vector<16xi32>, vector<16xi32>], vector<16xf32>,
          %parallel_loop3A_301 = arith.index_cast %parallel_loop3A_298 : i32 to index
          %parallel_loop3A_302 = arith.index_cast %parallel_loop3A_294 : i32 to index
          %parallel_loop3A_303 = tpu.vector_load %arg7[%parallel_loop3A_301, %parallel_loop3A_302] {strides = array<i32>} : memref<32x768xf32, #tpu.memory_space<vmem>>, vector<16xf32>,
          tpu.vector_store %arg7[%parallel_loop3A_301, %parallel_loop3A_302], %parallel_loop3A_300 {strides = array<i32>} : memref<32x768xf32, #tpu.memory_space<vmem>>, vector<16xf32>,
        } {sc.loop_unroll_factor = 8 : i64, sc.parallel_access}
      } {sc.loop_unroll_factor = 1 : i64, sc.parallel_access}
      %add3A_213 = arith.constant 3 : i32
      %add3A_214 = arith.addi %add3A_198, %add3A_213 : i32
      %lt3A_215 = arith.constant 49 : i32
      %lt3A_216 = arith.cmpi slt, %add3A_214, %lt3A_215 : i32
      %convert_element_type3A_217 = arith.extui %lt3A_216 : i1 to i32
      %cond3A_218 = arith.constant 0 : i32
      %cond3A_219 = arith.cmpi ne, %convert_element_type3A_217, %cond3A_218 : i32
      scf.if %cond3A_219 {
        %add3A_263 = arith.constant 3 : i32
        %add3A_264 = arith.addi %add3A_198, %add3A_263 : i32
        %mul3A_265 = arith.constant 32 : i32
        %mul3A_266 = arith.muli %add3A_264, %mul3A_265 : i32
        %add3A_267 = arith.addi %mul3A_266, %add3A : i32
        %mul3A_268 = arith.constant 32 : i32
        %mul3A_269 = arith.muli %add3A_267, %mul3A_268 : i32
        %dma_start3A_270 = arith.constant 0 : i32
        %dma_start3A_271 = tpu.memref_slice %arg2[%mul3A_269, %dma_start3A_270] : memref<50176x768xf32, #tpu.memory_space<hbm>> -> memref<32x768xf32, #tpu.memory_space<hbm>>
        %dma_start3A_272 = arith.constant 0 : i32
        %dma_start3A_273 = tpu.memref_slice %arg2[%mul3A_269, %dma_start3A_272] : memref<50176x768xf32, #tpu.memory_space<hbm>> -> memref<32x768xf32, #tpu.memory_space<hbm>>
        tpu.enqueue_dma source(%dma_start3A_273 : memref<32x768xf32, #tpu.memory_space<hbm>>) target(%arg5 : memref<32x768xf32, #tpu.memory_space<vmem>>) target_semaphore(%arg10 : memref<!tpu.dma_semaphore, #tpu.memory_space<semaphore_mem>>)
      } else {
      }
      %mul3A_220 = arith.constant 32 : i32
      %mul3A_221 = arith.muli %add3A_198, %mul3A_220 : i32
      %add3A_222 = arith.addi %mul3A_221, %add3A : i32
      %mul3A_223 = arith.constant 32 : i32
      %mul3A_224 = arith.muli %add3A_222, %mul3A_223 : i32
      %dma_start3A_225 = arith.constant 0 : i32
      %dma_start3A_226 = tpu.memref_slice %arg3[%mul3A_224, %dma_start3A_225] : memref<50176x768xf32, #tpu.memory_space<hbm>> -> memref<32x768xf32, #tpu.memory_space<hbm>>
      %dma_start3A_227 = arith.constant 0 : i32
      %dma_start3A_228 = tpu.memref_slice %arg3[%mul3A_224, %dma_start3A_227] : memref<50176x768xf32, #tpu.memory_space<hbm>> -> memref<32x768xf32, #tpu.memory_space<hbm>>
      tpu.enqueue_dma source(%arg7 : memref<32x768xf32, #tpu.memory_space<vmem>>) target(%dma_start3A_228 : memref<32x768xf32, #tpu.memory_space<hbm>>) target_semaphore(%arg12 : memref<!tpu.dma_semaphore, #tpu.memory_space<semaphore_mem>>)
      %mul3A_229 = arith.constant 6 : i32
      %mul3A_230 = arith.muli %mul3A_229, %scan3A_62 : i32
      %add3A_231 = arith.constant 5 : i32
      %add3A_232 = arith.addi %mul3A_230, %add3A_231 : i32
      %dma_wait3A_233 = arith.constant 0 : i32
      %dma_wait3A_234 = arith.constant 0 : i32
      %dma_wait3A_235 = tpu.memref_slice %arg2[%dma_wait3A_233, %dma_wait3A_234] : memref<50176x768xf32, #tpu.memory_space<hbm>> -> memref<32x768xf32, #tpu.memory_space<hbm>>
      %dma_wait3A_236 = arith.constant 0 : i32
      %dma_wait3A_237 = arith.constant 0 : i32
      %dma_wait3A_238 = tpu.memref_slice %arg2[%dma_wait3A_236, %dma_wait3A_237] : memref<50176x768xf32, #tpu.memory_space<hbm>> -> memref<32x768xf32, #tpu.memory_space<hbm>>
      tpu.wait_dma2 semaphore(%arg11 : memref<!tpu.dma_semaphore, #tpu.memory_space<semaphore_mem>>) src(%dma_wait3A_238 : memref<32x768xf32, #tpu.memory_space<hbm>>) dst(%arg6 : memref<32x768xf32, #tpu.memory_space<vmem>>)
      %ge3A_239 = arith.constant 2 : i32
      %ge3A_240 = arith.cmpi sge, %add3A_232, %ge3A_239 : i32
      %convert_element_type3A_241 = arith.extui %ge3A_240 : i1 to i32
      %cond3A_242 = arith.constant 0 : i32
      %cond3A_243 = arith.cmpi ne, %convert_element_type3A_241, %cond3A_242 : i32
      scf.if %cond3A_243 {
        %dma_wait3A_263 = arith.constant 0 : i32
        %dma_wait3A_264 = arith.constant 0 : i32
        %dma_wait3A_265 = tpu.memref_slice %arg3[%dma_wait3A_263, %dma_wait3A_264] : memref<50176x768xf32, #tpu.memory_space<hbm>> -> memref<32x768xf32, #tpu.memory_space<hbm>>
        %dma_wait3A_266 = arith.constant 0 : i32
        %dma_wait3A_267 = arith.constant 0 : i32
        %dma_wait3A_268 = tpu.memref_slice %arg3[%dma_wait3A_266, %dma_wait3A_267] : memref<50176x768xf32, #tpu.memory_space<hbm>> -> memref<32x768xf32, #tpu.memory_space<hbm>>
        tpu.wait_dma2 semaphore(%arg13 : memref<!tpu.dma_semaphore, #tpu.memory_space<semaphore_mem>>) src(%arg8 : memref<32x768xf32, #tpu.memory_space<vmem>>) dst(%dma_wait3A_268 : memref<32x768xf32, #tpu.memory_space<hbm>>)
      } else {
      }
      %parallel_loop3A_244 = arith.constant 0 : i32
      %parallel_loop3A_245 = arith.constant 48 : i32
      %parallel_loop3A_246 = arith.constant 1 : i32
      scf.for %parallel_loop3A_263 = %parallel_loop3A_244 to %parallel_loop3A_245 step %parallel_loop3A_246  : i32 {
        %parallel_loop3A_264 = tpu.iota {dimensions = array<i32: 0>} : vector<16xi32>
        %parallel_loop3A_265 = arith.constant 16 : i32
        %parallel_loop3A_266 = arith.muli %parallel_loop3A_265, %parallel_loop3A_263 : i32
        %parallel_loop3A_267 = vector.broadcast %parallel_loop3A_266 : i32 to vector<16xi32>
        %parallel_loop3A_268 = arith.addi %parallel_loop3A_264, %parallel_loop3A_267 : vector<16xi32>
        %parallel_loop3A_269 = arith.constant 192 : i32
        %parallel_loop3A_270 = vector.broadcast %parallel_loop3A_269 : i32 to vector<16xi32>
        %parallel_loop3A_271 = arith.subi %parallel_loop3A_268, %parallel_loop3A_270 : vector<16xi32>
        %parallel_loop3A_272 = arith.constant 192 : i32
        %parallel_loop3A_273 = vector.broadcast %parallel_loop3A_272 : i32 to vector<16xi32>
        %parallel_loop3A_274 = arith.cmpi sge, %parallel_loop3A_268, %parallel_loop3A_273 : vector<16xi32>
        %parallel_loop3A_275 = arith.constant 576 : i32
        %parallel_loop3A_276 = vector.broadcast %parallel_loop3A_275 : i32 to vector<16xi32>
        %parallel_loop3A_277 = arith.cmpi slt, %parallel_loop3A_268, %parallel_loop3A_276 : vector<16xi32>
        %parallel_loop3A_278 = arith.andi %parallel_loop3A_274, %parallel_loop3A_277 : vector<16xi1>
        %parallel_loop3A_279 = arith.constant 1 : i32
        %parallel_loop3A_280 = vector.broadcast %parallel_loop3A_279 : i32 to vector<16xi32>
        %parallel_loop3A_281 = arith.shrsi %parallel_loop3A_271, %parallel_loop3A_280 : vector<16xi32>
        %parallel_loop3A_282 = arith.constant 192 : i32
        %parallel_loop3A_283 = vector.broadcast %parallel_loop3A_282 : i32 to vector<16xi32>
        %parallel_loop3A_284 = arith.addi %parallel_loop3A_283, %parallel_loop3A_281 : vector<16xi32>
        %parallel_loop3A_285 = arith.constant 1 : i32
        %parallel_loop3A_286 = vector.broadcast %parallel_loop3A_285 : i32 to vector<16xi32>
        %parallel_loop3A_287 = arith.andi %parallel_loop3A_271, %parallel_loop3A_286 : vector<16xi32>
        %parallel_loop3A_288 = arith.constant 192 : i32
        %parallel_loop3A_289 = vector.broadcast %parallel_loop3A_288 : i32 to vector<16xi32>
        %parallel_loop3A_290 = arith.muli %parallel_loop3A_287, %parallel_loop3A_289 : vector<16xi32>
        %parallel_loop3A_291 = arith.addi %parallel_loop3A_284, %parallel_loop3A_290 : vector<16xi32>
        %parallel_loop3A_292 = arith.select %parallel_loop3A_278, %parallel_loop3A_291, %parallel_loop3A_268 : vector<16xi1>, vector<16xi32>
        %parallel_loop3A_293 = arith.constant 16 : i32
        %parallel_loop3A_294 = arith.muli %parallel_loop3A_293, %parallel_loop3A_263 : i32
        %parallel_loop3A_295 = arith.constant 0 : i32
        %parallel_loop3A_296 = arith.constant 32 : i32
        %parallel_loop3A_297 = arith.constant 1 : i32
        scf.for %parallel_loop3A_298 = %parallel_loop3A_295 to %parallel_loop3A_296 step %parallel_loop3A_297  : i32 {
          %parallel_loop3A_299 = vector.broadcast %parallel_loop3A_298 : i32 to vector<16xi32>
          %parallel_loop3A_300 = tpu.vector_load_idx %arg6[%parallel_loop3A_299, %parallel_loop3A_292] : memref<32x768xf32, #tpu.memory_space<vmem>>[vector<16xi32>, vector<16xi32>], vector<16xf32>,
          %parallel_loop3A_301 = arith.index_cast %parallel_loop3A_298 : i32 to index
          %parallel_loop3A_302 = arith.index_cast %parallel_loop3A_294 : i32 to index
          %parallel_loop3A_303 = tpu.vector_load %arg8[%parallel_loop3A_301, %parallel_loop3A_302] {strides = array<i32>} : memref<32x768xf32, #tpu.memory_space<vmem>>, vector<16xf32>,
          tpu.vector_store %arg8[%parallel_loop3A_301, %parallel_loop3A_302], %parallel_loop3A_300 {strides = array<i32>} : memref<32x768xf32, #tpu.memory_space<vmem>>, vector<16xf32>,
        } {sc.loop_unroll_factor = 8 : i64, sc.parallel_access}
      } {sc.loop_unroll_factor = 1 : i64, sc.parallel_access}
      %add3A_247 = arith.constant 3 : i32
      %add3A_248 = arith.addi %add3A_232, %add3A_247 : i32
      %lt3A_249 = arith.constant 49 : i32
      %lt3A_250 = arith.cmpi slt, %add3A_248, %lt3A_249 : i32
      %convert_element_type3A_251 = arith.extui %lt3A_250 : i1 to i32
      %cond3A_252 = arith.constant 0 : i32
      %cond3A_253 = arith.cmpi ne, %convert_element_type3A_251, %cond3A_252 : i32
      scf.if %cond3A_253 {
        %add3A_263 = arith.constant 3 : i32
        %add3A_264 = arith.addi %add3A_232, %add3A_263 : i32
        %mul3A_265 = arith.constant 32 : i32
        %mul3A_266 = arith.muli %add3A_264, %mul3A_265 : i32
        %add3A_267 = arith.addi %mul3A_266, %add3A : i32
        %mul3A_268 = arith.constant 32 : i32
        %mul3A_269 = arith.muli %add3A_267, %mul3A_268 : i32
        %dma_start3A_270 = arith.constant 0 : i32
        %dma_start3A_271 = tpu.memref_slice %arg2[%mul3A_269, %dma_start3A_270] : memref<50176x768xf32, #tpu.memory_space<hbm>> -> memref<32x768xf32, #tpu.memory_space<hbm>>
        %dma_start3A_272 = arith.constant 0 : i32
        %dma_start3A_273 = tpu.memref_slice %arg2[%mul3A_269, %dma_start3A_272] : memref<50176x768xf32, #tpu.memory_space<hbm>> -> memref<32x768xf32, #tpu.memory_space<hbm>>
        tpu.enqueue_dma source(%dma_start3A_273 : memref<32x768xf32, #tpu.memory_space<hbm>>) target(%arg6 : memref<32x768xf32, #tpu.memory_space<vmem>>) target_semaphore(%arg11 : memref<!tpu.dma_semaphore, #tpu.memory_space<semaphore_mem>>)
      } else {
      }
      %mul3A_254 = arith.constant 32 : i32
      %mul3A_255 = arith.muli %add3A_232, %mul3A_254 : i32
      %add3A_256 = arith.addi %mul3A_255, %add3A : i32
      %mul3A_257 = arith.constant 32 : i32
      %mul3A_258 = arith.muli %add3A_256, %mul3A_257 : i32
      %dma_start3A_259 = arith.constant 0 : i32
      %dma_start3A_260 = tpu.memref_slice %arg3[%mul3A_258, %dma_start3A_259] : memref<50176x768xf32, #tpu.memory_space<hbm>> -> memref<32x768xf32, #tpu.memory_space<hbm>>
      %dma_start3A_261 = arith.constant 0 : i32
      %dma_start3A_262 = tpu.memref_slice %arg3[%mul3A_258, %dma_start3A_261] : memref<50176x768xf32, #tpu.memory_space<hbm>> -> memref<32x768xf32, #tpu.memory_space<hbm>>
      tpu.enqueue_dma source(%arg8 : memref<32x768xf32, #tpu.memory_space<vmem>>) target(%dma_start3A_262 : memref<32x768xf32, #tpu.memory_space<hbm>>) target_semaphore(%arg13 : memref<!tpu.dma_semaphore, #tpu.memory_space<semaphore_mem>>)
    }
    %scan3A_28 = arith.constant 8 : i32
    %dma_wait3A = arith.constant 0 : i32
    %dma_wait3A_29 = arith.constant 0 : i32
    %dma_wait3A_30 = tpu.memref_slice %arg2[%dma_wait3A, %dma_wait3A_29] : memref<50176x768xf32, #tpu.memory_space<hbm>> -> memref<32x768xf32, #tpu.memory_space<hbm>>
    %dma_wait3A_31 = arith.constant 0 : i32
    %dma_wait3A_32 = arith.constant 0 : i32
    %dma_wait3A_33 = tpu.memref_slice %arg2[%dma_wait3A_31, %dma_wait3A_32] : memref<50176x768xf32, #tpu.memory_space<hbm>> -> memref<32x768xf32, #tpu.memory_space<hbm>>
    tpu.wait_dma2 semaphore(%arg9 : memref<!tpu.dma_semaphore, #tpu.memory_space<semaphore_mem>>) src(%dma_wait3A_33 : memref<32x768xf32, #tpu.memory_space<hbm>>) dst(%arg4 : memref<32x768xf32, #tpu.memory_space<vmem>>)
    %dma_wait3A_34 = arith.constant 0 : i32
    %dma_wait3A_35 = arith.constant 0 : i32
    %dma_wait3A_36 = tpu.memref_slice %arg3[%dma_wait3A_34, %dma_wait3A_35] : memref<50176x768xf32, #tpu.memory_space<hbm>> -> memref<32x768xf32, #tpu.memory_space<hbm>>
    %dma_wait3A_37 = arith.constant 0 : i32
    %dma_wait3A_38 = arith.constant 0 : i32
    %dma_wait3A_39 = tpu.memref_slice %arg3[%dma_wait3A_37, %dma_wait3A_38] : memref<50176x768xf32, #tpu.memory_space<hbm>> -> memref<32x768xf32, #tpu.memory_space<hbm>>
    tpu.wait_dma2 semaphore(%arg12 : memref<!tpu.dma_semaphore, #tpu.memory_space<semaphore_mem>>) src(%arg7 : memref<32x768xf32, #tpu.memory_space<vmem>>) dst(%dma_wait3A_39 : memref<32x768xf32, #tpu.memory_space<hbm>>)
    %parallel_loop3A = arith.constant 0 : i32
    %parallel_loop3A_40 = arith.constant 48 : i32
    %parallel_loop3A_41 = arith.constant 1 : i32
    scf.for %parallel_loop3A_62 = %parallel_loop3A to %parallel_loop3A_40 step %parallel_loop3A_41  : i32 {
      %parallel_loop3A_63 = tpu.iota {dimensions = array<i32: 0>} : vector<16xi32>
      %parallel_loop3A_64 = arith.constant 16 : i32
      %parallel_loop3A_65 = arith.muli %parallel_loop3A_64, %parallel_loop3A_62 : i32
      %parallel_loop3A_66 = vector.broadcast %parallel_loop3A_65 : i32 to vector<16xi32>
      %parallel_loop3A_67 = arith.addi %parallel_loop3A_63, %parallel_loop3A_66 : vector<16xi32>
      %parallel_loop3A_68 = arith.constant 192 : i32
      %parallel_loop3A_69 = vector.broadcast %parallel_loop3A_68 : i32 to vector<16xi32>
      %parallel_loop3A_70 = arith.subi %parallel_loop3A_67, %parallel_loop3A_69 : vector<16xi32>
      %parallel_loop3A_71 = arith.constant 192 : i32
      %parallel_loop3A_72 = vector.broadcast %parallel_loop3A_71 : i32 to vector<16xi32>
      %parallel_loop3A_73 = arith.cmpi sge, %parallel_loop3A_67, %parallel_loop3A_72 : vector<16xi32>
      %parallel_loop3A_74 = arith.constant 576 : i32
      %parallel_loop3A_75 = vector.broadcast %parallel_loop3A_74 : i32 to vector<16xi32>
      %parallel_loop3A_76 = arith.cmpi slt, %parallel_loop3A_67, %parallel_loop3A_75 : vector<16xi32>
      %parallel_loop3A_77 = arith.andi %parallel_loop3A_73, %parallel_loop3A_76 : vector<16xi1>
      %parallel_loop3A_78 = arith.constant 1 : i32
      %parallel_loop3A_79 = vector.broadcast %parallel_loop3A_78 : i32 to vector<16xi32>
      %parallel_loop3A_80 = arith.shrsi %parallel_loop3A_70, %parallel_loop3A_79 : vector<16xi32>
      %parallel_loop3A_81 = arith.constant 192 : i32
      %parallel_loop3A_82 = vector.broadcast %parallel_loop3A_81 : i32 to vector<16xi32>
      %parallel_loop3A_83 = arith.addi %parallel_loop3A_82, %parallel_loop3A_80 : vector<16xi32>
      %parallel_loop3A_84 = arith.constant 1 : i32
      %parallel_loop3A_85 = vector.broadcast %parallel_loop3A_84 : i32 to vector<16xi32>
      %parallel_loop3A_86 = arith.andi %parallel_loop3A_70, %parallel_loop3A_85 : vector<16xi32>
      %parallel_loop3A_87 = arith.constant 192 : i32
      %parallel_loop3A_88 = vector.broadcast %parallel_loop3A_87 : i32 to vector<16xi32>
      %parallel_loop3A_89 = arith.muli %parallel_loop3A_86, %parallel_loop3A_88 : vector<16xi32>
      %parallel_loop3A_90 = arith.addi %parallel_loop3A_83, %parallel_loop3A_89 : vector<16xi32>
      %parallel_loop3A_91 = arith.select %parallel_loop3A_77, %parallel_loop3A_90, %parallel_loop3A_67 : vector<16xi1>, vector<16xi32>
      %parallel_loop3A_92 = arith.constant 16 : i32
      %parallel_loop3A_93 = arith.muli %parallel_loop3A_92, %parallel_loop3A_62 : i32
      %parallel_loop3A_94 = arith.constant 0 : i32
      %parallel_loop3A_95 = arith.constant 32 : i32
      %parallel_loop3A_96 = arith.constant 1 : i32
      scf.for %parallel_loop3A_97 = %parallel_loop3A_94 to %parallel_loop3A_95 step %parallel_loop3A_96  : i32 {
        %parallel_loop3A_98 = vector.broadcast %parallel_loop3A_97 : i32 to vector<16xi32>
        %parallel_loop3A_99 = tpu.vector_load_idx %arg4[%parallel_loop3A_98, %parallel_loop3A_91] : memref<32x768xf32, #tpu.memory_space<vmem>>[vector<16xi32>, vector<16xi32>], vector<16xf32>,
        %parallel_loop3A_100 = arith.index_cast %parallel_loop3A_97 : i32 to index
        %parallel_loop3A_101 = arith.index_cast %parallel_loop3A_93 : i32 to index
        %parallel_loop3A_102 = tpu.vector_load %arg7[%parallel_loop3A_100, %parallel_loop3A_101] {strides = array<i32>} : memref<32x768xf32, #tpu.memory_space<vmem>>, vector<16xf32>,
        tpu.vector_store %arg7[%parallel_loop3A_100, %parallel_loop3A_101], %parallel_loop3A_99 {strides = array<i32>} : memref<32x768xf32, #tpu.memory_space<vmem>>, vector<16xf32>,
      } {sc.loop_unroll_factor = 8 : i64, sc.parallel_access}
    } {sc.loop_unroll_factor = 1 : i64, sc.parallel_access}
    %add3A_42 = arith.constant 1536 : i32
    %add3A_43 = arith.addi %add3A_42, %add3A : i32
    %mul3A_44 = arith.constant 32 : i32
    %mul3A_45 = arith.muli %add3A_43, %mul3A_44 : i32
    %dma_start3A_46 = arith.constant 0 : i32
    %dma_start3A_47 = tpu.memref_slice %arg3[%mul3A_45, %dma_start3A_46] : memref<50176x768xf32, #tpu.memory_space<hbm>> -> memref<32x768xf32, #tpu.memory_space<hbm>>
    %dma_start3A_48 = arith.constant 0 : i32
    %dma_start3A_49 = tpu.memref_slice %arg3[%mul3A_45, %dma_start3A_48] : memref<50176x768xf32, #tpu.memory_space<hbm>> -> memref<32x768xf32, #tpu.memory_space<hbm>>
    tpu.enqueue_dma source(%arg7 : memref<32x768xf32, #tpu.memory_space<vmem>>) target(%dma_start3A_49 : memref<32x768xf32, #tpu.memory_space<hbm>>) target_semaphore(%arg12 : memref<!tpu.dma_semaphore, #tpu.memory_space<semaphore_mem>>)
    %dma_wait3A_50 = arith.constant 0 : i32
    %dma_wait3A_51 = arith.constant 0 : i32
    %dma_wait3A_52 = tpu.memref_slice %arg3[%dma_wait3A_50, %dma_wait3A_51] : memref<50176x768xf32, #tpu.memory_space<hbm>> -> memref<32x768xf32, #tpu.memory_space<hbm>>
    %dma_wait3A_53 = arith.constant 0 : i32
    %dma_wait3A_54 = arith.constant 0 : i32
    %dma_wait3A_55 = tpu.memref_slice %arg3[%dma_wait3A_53, %dma_wait3A_54] : memref<50176x768xf32, #tpu.memory_space<hbm>> -> memref<32x768xf32, #tpu.memory_space<hbm>>
    tpu.wait_dma2 semaphore(%arg12 : memref<!tpu.dma_semaphore, #tpu.memory_space<semaphore_mem>>) src(%arg7 : memref<32x768xf32, #tpu.memory_space<vmem>>) dst(%dma_wait3A_55 : memref<32x768xf32, #tpu.memory_space<hbm>>)
    %dma_wait3A_56 = arith.constant 0 : i32
    %dma_wait3A_57 = arith.constant 0 : i32
    %dma_wait3A_58 = tpu.memref_slice %arg3[%dma_wait3A_56, %dma_wait3A_57] : memref<50176x768xf32, #tpu.memory_space<hbm>> -> memref<32x768xf32, #tpu.memory_space<hbm>>
    %dma_wait3A_59 = arith.constant 0 : i32
    %dma_wait3A_60 = arith.constant 0 : i32
    %dma_wait3A_61 = tpu.memref_slice %arg3[%dma_wait3A_59, %dma_wait3A_60] : memref<50176x768xf32, #tpu.memory_space<hbm>> -> memref<32x768xf32, #tpu.memory_space<hbm>>
    tpu.wait_dma2 semaphore(%arg13 : memref<!tpu.dma_semaphore, #tpu.memory_space<semaphore_mem>>) src(%arg8 : memref<32x768xf32, #tpu.memory_space<vmem>>) dst(%dma_wait3A_61 : memref<32x768xf32, #tpu.memory_space<hbm>>)
    return
  }
}

</mosaic_0001>

<sc_bundles>
// kernel: kernel.3.cloned.1.call-start
scs
__scs_entry_jumppad:
0x0: {  	(pc) =	sbr.rel $0x88, $3  }
0x1: {  	(tag) =	ssettag $0x0;
	lr =	simm.s32 $0x1  }
0x2: {  	[smem:$0x3FA0] =	sst lr;
	_ =	strace $0xD0000000  }
0x3: {  	_ = 	snop  }
0x4: {  	_ = 	snop  }
0x5: {  	_ = 	snop  }
0x6: {  	_ = 	snop  }
0x7: {  	_ = 	snop  }
__scs_overlays_trampoline_lowered:
0x8: {  	[smem:$0x3FAF] =	sst s0  }
0x9: {  	[smem:$0x3FB0] =	sst s1  }
0xa: {  	[smem:$0x3FB1] =	sst s2  }
0xb: {  	[smem:$0x3FB2] =	sst s3  }
0xc: {  	[smem:$0x3FB3] =	sst s4  }
0xd: {  	[smem:$0x3FB4] =	sst s5  }
0xe: {  	[smem:$0x3FB5] =	sst s6  }
0xf: {  	[smem:$0x3FB6] =	sst s7  }
0x10: {  	[smem:$0x3FB7] =	sst s8  }
0x11: {  	[smem:$0x3FB8] =	sst s9;
	s0 =	simm.s32 @!p0 $0x0  }
0x12: {  	s1 =	sld [smem:$0x3F9E];
	s0 =	simm.s32 @p0 $0x1  }
0x13: {  	[smem:$0x3FB9] =	sst s0;
	s0 =	simm.s32 @!p1 $0x0  }
0x14: {  	s2 =	sld [smem:$0x3F9D];
	s0 =	simm.s32 @p1 $0x1  }
0x15: {  	[smem:$0x3FBA] =	sst s0;
	s0 =	simm.s32 @!p2 $0x0  }
0x16: {  	s3 =	sld [smem:$0x3FDB];
	s0 =	simm.s32 @p2 $0x1  }
0x17: {  	s4 =	simm.s32 $0x1BF5;
	[smem:$0x3FBC] =	sst s0  }
0x18: {  	s0 =	sld [smem:$0x3F9F];
	_ =	swait.ge [sflag:s4], $0x0  }
0x19: {  	s7 =	sld [smem:$0x3FA0]  }
0x1a: {  	s8 =	sadd.s32 $0xFFFFE003, lr  }
0x1b: {  	s9 =	sadd.s32 $0xFFFFFEF7, lr;
	s5 =	simm.s32 $0xFFFFFFFF;
	p2 =	slt.u32 s8, $0xFFFFF086  }
0x1c: {  	p1 =	slt.u32 s9, $0xF7A;
	s5 =	simm.s32 @!p2 $0x0  }
0x1d: {  	s5 =	simm.s32 @p1 $0x1;
	p0 =	seq.s32 s7, s2  }
0x1e: {  	s7 =	smul.u32 @!p0 $0xF7A, s2;
	p2 =	seq.s32 @!p0 s5, $0x0  }
0x1f: {  	s9 =	smul.u32 $0xF7A, s1;
	s8 =	simm.s32 @!p0 $0x1BF5;
	p2 =	por !p2, p0  }
0x20: {  	[sflag:s8] =	ssyncset.s32 @!p0 $0xFFFFF086;
	s6 =	sadd.s32 @!p0 s3, s7;
	s7 =	simm.s32 @!p0 $0x108  }
0x21: {  	s3 =	sadd.s32 s3, s9;
	s6 =	sadd.s32 @!p0 $0x88, s6;
	s7 =	simm.s32 @p2 $0x1082  }
0x22: {  	[simem:s7], [sflag:s8] =	dma.local @!p0 [hbm:s6], $0xF7A  }
0x23: {  	s9 =	sor.u32 $0xD0000000, s2;
	s6 =	simm.s32 $0x108;
	_ =	swait.ge @!p0 [sflag:s8], $0x0  }
0x24: {  	s3 =	sadd.s32 $0x88, s3;
	s6 =	simm.s32 @!p1 $0x1082;
	[sflag:s4] =	ssyncset.s32 $0xFFFFF086  }
0x25: {  	[simem:s6], [sflag:s4] =	dma.local [hbm:s3], $0xF7A  }
0x26: {  	[smem:$0x3FA0] =	sst s1;
	(tag) =	ssettag s2;
	_ =	strace s9  }
0x27: {  	s1 =	sld [smem:$0x3FB0]  }
0x28: {  	s2 =	sld [smem:$0x3FB1]  }
0x29: {  	s4 =	sld [smem:$0x3FB3]  }
0x2a: {  	p0 =	seq.s32 s5, $0x0;
	s5 =	sld [smem:$0x3FB4]  }
0x2b: {  	s6 =	sld [smem:$0x3FB5]  }
0x2c: {  	s7 =	sld [smem:$0x3FB6]  }
0x2d: {  	s3 =	simm.s32 $0x108;
	s8 =	sld [smem:$0x3FB7]  }
0x2e: {  	s3 =	simm.s32 @!p0 $0x1082;
	s9 =	sld [smem:$0x3FB8]  }
0x2f: {  	lr =	sadd.s32 s0, s3;
	s0 =	sld [smem:$0x3FAF]  }
0x30: {  	s3 =	sld [smem:$0x3FB2]  }
0x31: {  	[smem:$0x3FBB] =	sst s10  }
0x32: {  	s10 =	sld [smem:$0x3FB9];
	_ =	sdelay $0x3  }
0x33: {  	p0 =	seq.s32 s10, $0x1;
	s10 =	sld [smem:$0x3FBB];
	_ =	sdelay $0x3  }
0x34: {  	[smem:$0x3FBB] =	sst s10  }
0x35: {  	s10 =	sld [smem:$0x3FBA];
	_ =	sdelay $0x3  }
0x36: {  	p1 =	seq.s32 s10, $0x1;
	s10 =	sld [smem:$0x3FBB];
	_ =	sdelay $0x3  }
0x37: {  	[smem:$0x3FBB] =	sst s10  }
0x38: {  	s10 =	sld [smem:$0x3FBC]  }
0x39: {  	_ = 	snop;
	(pc) =	sbr.ind lr, $3  }
0x3a: {  	_ = 	snop  }
0x3b: {  	_ = 	snop  }
0x3c: {  	p2 =	seq.s32 s10, $0x1;
	s10 =	sld [smem:$0x3FBB]  }
0x3d: {  	_ =	shalt  }
0x3e: {  	_ =	shalt  }
0x3f: {  	_ =	shalt  }
0x40: {  	_ =	shalt  }
0x41: {  	_ =	shalt  }
0x42: {  	_ =	shalt  }
0x43: {  	_ =	shalt  }
0x44: {  	_ =	shalt  }
0x45: {  	_ =	shalt  }
0x46: {  	_ =	shalt  }
0x47: {  	_ =	shalt  }
0x48: {  	_ =	shalt  }
0x49: {  	_ =	shalt  }
0x4a: {  	_ =	shalt  }
0x4b: {  	_ =	shalt  }
0x4c: {  	_ =	shalt  }
0x4d: {  	_ =	shalt  }
0x4e: {  	_ =	shalt  }
0x4f: {  	_ =	shalt  }
0x50: {  	_ =	shalt  }
0x51: {  	_ =	shalt  }
0x52: {  	_ =	shalt  }
0x53: {  	_ =	shalt  }
0x54: {  	_ =	shalt  }
0x55: {  	_ =	shalt  }
0x56: {  	_ =	shalt  }
0x57: {  	_ =	shalt  }
0x58: {  	_ =	shalt  }
0x59: {  	_ =	shalt  }
0x5a: {  	_ =	shalt  }
0x5b: {  	_ =	shalt  }
0x5c: {  	_ =	shalt  }
0x5d: {  	_ =	shalt  }
0x5e: {  	_ =	shalt  }
0x5f: {  	_ =	shalt  }
0x60: {  	_ =	shalt  }
0x61: {  	_ =	shalt  }
0x62: {  	_ =	shalt  }
0x63: {  	_ =	shalt  }
0x64: {  	_ =	shalt  }
0x65: {  	_ =	shalt  }
0x66: {  	_ =	shalt  }
0x67: {  	_ =	shalt  }
0x68: {  	_ =	shalt  }
0x69: {  	_ =	shalt  }
0x6a: {  	_ =	shalt  }
0x6b: {  	_ =	shalt  }
0x6c: {  	_ =	shalt  }
0x6d: {  	_ =	shalt  }
0x6e: {  	_ =	shalt  }
0x6f: {  	_ =	shalt  }
0x70: {  	_ =	shalt  }
0x71: {  	_ =	shalt  }
0x72: {  	_ =	shalt  }
0x73: {  	_ =	shalt  }
0x74: {  	_ =	shalt  }
0x75: {  	_ =	shalt  }
0x76: {  	_ =	shalt  }
0x77: {  	_ =	shalt  }
0x78: {  	_ =	shalt  }
0x79: {  	_ =	shalt  }
0x7a: {  	_ =	shalt  }
0x7b: {  	_ =	shalt  }
0x7c: {  	_ =	shalt  }
0x7d: {  	_ =	shalt  }
0x7e: {  	_ =	shalt  }
0x7f: {  	_ =	shalt  }
0x80: {  	_ =	shalt  }
0x81: {  	_ =	shalt  }
0x82: {  	_ =	shalt  }
0x83: {  	_ =	shalt  }
0x84: {  	_ =	shalt  }
0x85: {  	_ =	shalt  }
0x86: {  	_ =	shalt  }
0x87: {  	_ =	shalt  }
.Lfunc_end0:
.L_simem_size_0:
called_computation_lowered:
.L_overlay_start_0:
0x88: {  	s2 =	sld [smem:$0x3FD9]  }
0x89: {  	s3 =	sld [smem:$0x3FFE];
	_ =	sdelay $0x1  }
0x8a: {  	s1 =	srdreg.scid  }
0x8b: {  	s0 =	sand.u32 $0x1, s1  }
0x8c: {  	s18 =	sshll.u32 s0, $0xA;
	s2 =	sadd.s32 s3, s2  }
0x8d: {  	s2 =	sadd.s32 s2, s18  }
0x8e: {  	[smem:$0x3FC7] =	sst s2  }
0x8f: {  	_ = 	snop  }
0x90: {  	s2 =	sld [smem:$0x3FC9]  }
0x91: {  	s19 =	sld [smem:$0x3FD0];
	(tm) =	ssettm $0x1  }
0x92: {  	s4 =	sld [smem:$0x3FFB];
	_ =	sdelay $0x3  }
0x93: {  	_ =	strace s4  }
0x94: {  	s4 =	sld [smem:$0x3FFC];
	_ =	sdelay $0x3  }
0x95: {  	_ =	strace s4  }
0x96: {  	s4 =	sld [smem:$0x3FFD];
	_ =	sdelay $0x3  }
0x97: {  	_ =	strace s4  }
0x98: {  	_ =	strace $0x8FFFFFFF  }
0x99: {  	s20 =	sld [smem:$0x3FDB];
	_ =	sdelay $0x1  }
0x9a: {  	s5 =	simm.s32 $_scs_section_size  }
0x9b: {  	s6 =	simm.s32 $_size__tile_overlayer_lowered;
	s7 =	simm.s32 $_tile_overlayer_lowered  }
0x9c: {  	s23 =	simm.s32 $0x1BFF;
	s22 =	sshll.u32 s7, $0x1;
	s4 =	sadd.s32 s5, s20  }
0x9d: {  	s8 =	simm.s32 $0x0;
	s21 =	sshll.u32 s6, $0x1;
	s6 =	sadd.s32 s22, s4  }
0x9e: {  	[timem:s8], [sflag:s23] =	dma.local [hbm:s6], s21  }
0x9f: {  	_ =	swait.ge [sflag:s23], s21  }
0xa0: {  	s5 =	ssub.s32 $0x0, s21;
	[sflag:s23] =	ssyncset.done $0x0  }
0xa1: {  	[sflag:s23] =	ssyncadd.s32 s5;
	_ =	sdelay $0x1  }
0xa2: {  	s24 =	simm.s32 $0x1B8B  }
0xa3: {  	_ =	swait.ge [sflag:s24], $0x1  }
0xa4: {  	[sflag:s24] =	ssyncset.done $0x0  }
0xa5: {  	s25 =	simm.s32 $0x1B8E;
	[sflag:s24] =	ssyncadd.s32 $0xFFFFFFFF  }
0xa6: {  	s26 =	simm.s32 $execute0_lowered;
	[smem:$0x3FD2] =	sst s25  }
0xa7: {  	s5 =	sshll.u32 s26, $0x1;
	_ =	strace $0x80000046;
	[dreg:$0x1] =	wrdreg $0xFFFFFFFF  }
0xa8: {  	s28 =	simm.s32 $_size_execute0_lowered;
	s4 =	sadd.s32 s4, s5;
	[dreg:$0x0] =	wrdreg $0x0  }
0xa9: {  	s5 =	sshll.u32 s28, $0x1;
	[dreg:$0x2] =	wrdreg s4  }
0xaa: {  	[dreg:$0x3] =	wrdreg s5  }
0xab: {  	[dreg:$0x4] =	wrdreg $0xC0  }
0xac: {  	_ =	task [dreg:s8], $0x5FFFF  }
0xad: {  	[dreg:$0x1] =	wrdreg $0xFFFFFFFF  }
0xae: {  	[dreg:$0x0] =	wrdreg $0x60  }
0xaf: {  	[dreg:$0x2] =	wrdreg s2  }
0xb0: {  	[dreg:$0x3] =	wrdreg s19  }
0xb1: {  	[dreg:$0x4] =	wrdreg $0x9  }
0xb2: {  	_ =	task.clear_ibuf [dreg:s8], $0x5FFFF;
	_ =	strace $0x90000046  }
0xb3: {  	s29 =	simm.s32 $0x9;
	_ =	strace $0x80000048  }
0xb4: {  	_ =	swait.ge [sflag:s29], $0x1  }
0xb5: {  	[sflag:s29] =	ssyncadd.s32 $0xFFFFFFFF  }
0xb6: {  	_ =	strace $0x90000048  }
0xb7: {  	_ =	sfence  }
0xb8: {  	s30 =	sld [smem:$0x0];
	_ =	sdelay $0x2  }
0xb9: {  	s31 =	sshll.u32 s1, $0xD;
	s1 =	sshrl.u32 s1, $0x2  }
0xba: {  	s3 =	sand.u32 $0x4000, s31;
	s1 =	sadd.s32 s1, s30  }
0xbb: {  	s0 =	sor.u32 s3, s0;
	s1 =	sshll.u32 s1, $0x11  }
0xbc: {  	s0 =	sor.u32 s1, s0  }
0xbd: {  	s0 =	sadd.s32 $0x8F2B, s0  }
0xbe: {  	[sflag:s0] =	ssyncadd.remote.s32 $0x1  }
0xbf: {  	_ =	sfence.sel $0xFFFF  }
0xc0: {  	[dreg:$0x0] =	wrdreg $0xFFFFFFFF;
	(pc) =	sbr.abs _section_cstart, $3  }
0xc1: {  	[dreg:$0x1] =	wrdreg $0xFFFFFFFF  }
0xc2: {  	_ =	task.clear_ibuf [dreg:s8], $0x2FFFF;
	_ =	strace $0x9FFFFFFF  }
0xc3: {  	(tm) =	ssettm $0x7FFFFFFF  }
tec
execute0_lowered:
.L_overlay_start_1:
0x0: {  	(tag) =	ssettag $0x1  }
0x1: {  	s2 =	rddreg [dreg:$0x0]  }
0x2: {  	s0 =	srdreg.scid;
	s1 =	stileid.u32  }
0x3: {  	s3 =	rddreg [dreg:$0x1];
	s4 =	simm.s32 $0x0;
	s19 =	simm.s32 $0x6000  }
0x4: {  	s20 =	simm.s32 $0xC000;
	s21 =	simm.s32 $0x1;
	s22 =	simm.s32 $0x12000  }
0x5: {  	s23 =	simm.s32 $0x2;
	s24 =	simm.s32 $0x18000;
	s25 =	simm.s32 $0x3  }
0x6: {  	s26 =	simm.s32 $0x4;
	s28 =	simm.s32 $0x5;
	s0 =	sand.u32 $0x1, s0  }
0x7: {  	s1 =	sshll.u32 s1, $0x1;
	[smem:$0x7FF] =	sst s4;
	s16 =	sadd.s32 $0x18000, s3  }
0x8: {  	s5 =	sor.u32 s0, s1;
	s0 =	ssub.s32 $0x2, s0;
	_ =	strace $0x80000047  }
0x9: {  	s1 =	smul.u32 $0xC00, s5;
	s6 =	sshrl.u32 s0, $0x1;
	s31 =	sshll.u32 s5, $0x2  }
0xa: {  	s7 =	sshll.u32 s5, $0x5;
	s12 =	sor.u32 $0x40, s5;
	s0 =	ssub.s32 s0, s6  }
0xb: {  	s10 =	sor.u32 $0x200, s31;
	s11 =	sor.u32 $0x280, s31;
	s8 =	sadd.s32 s2, s1  }
0xc: {  	v0 =	vlaneseq.u32;
	s13 =	sor.u32 $0x1800, s7;
	s0 =	smax.u32 s0, $0x1;
	[dreg:$0x3] =	wrdreg s8  }
0xd: {  	v1 =	vand.u32 $0x1, v0;
	s14 =	sor.u32 $0x1C00, s7;
	s9 =	sadd.s32 $0x18000, s8;
	[dreg:$0x7] =	wrdreg s0  }
0xe: {  	v2 =	vmul.u32 $0xC0, v1;
	s1 =	sadd.s32 s1, s3;
	s8 =	sadd.s32 $0x30000, s8;
	[dreg:$0x4] =	wrdreg s9  }
0xf: {  	s15 =	sor.u32 $0x2000, s7;
	s1 =	sadd.s32 $0x480000, s1;
	[dreg:$0x5] =	wrdreg s8  }
0x10: {  	v1 =	vor.u32 $0xFFFFFF40, v0;
	v2 =	vadd.s32 $0xC0, v2;
	s9 =	sor.u32 $0x180, s31;
	[dreg:$0x6] =	wrdreg s1;
	s1 =	simm.s32 $0x0  }
.LBB2_1:
0x11: {  	[dreg:$0x8] =	wrdreg s1  }
0x12: {  	s0 =	rddreg [dreg:$0x3]  }
0x13: {  	[tilespmem:s4], [sflag:$0x1] =	stream.linear.gather [hbm4b:s0+s4], $0x6000, $0x38;
	[tilespmem:$0x1E000] =	vst v63  }
0x14: {  	s29 =	rddreg [dreg:$0x4]  }
0x15: {  	[tilespmem:s19], [sflag:$0x2] =	stream.linear.gather [hbm4b:s29+s4], $0x6000, $0x38;
	[tilespmem:$0x1E000] =	vst v63  }
0x16: {  	s31 =	rddreg [dreg:$0x5];
	s30 =	simm.s32 $0x0  }
0x17: {  	[tilespmem:s20], [sflag:$0x3] =	stream.linear.gather [hbm4b:s31+s4], $0x6000, $0x38;
	[tilespmem:$0x1E000] =	vst v63  }
.LBB2_2:
0x18: {  	_ =	swait.ge [sflag:s21], $0x6000  }
0x19: {  	p0 =	seq.s32 s30, $0x0;
	[sflag:s21] =	ssyncset.done $0x0  }
0x1a: {  	s0 =	simm.s32 @!p0 $0x4;
	[sflag:s21] =	ssyncadd.s32 $0xFFFFA000  }
0x1b: {  	_ =	swait.ge @!p0 [sflag:s0], $0x6000  }
0x1c: {  	s1 =	simm.s32 $0x0;
	[sflag:s0] =	ssyncset.done @!p0 $0x0  }
0x1d: {  	s7 =	simm.s32 $0x0;
	[sflag:s0] =	ssyncadd.s32 @!p0 $0xFFFFA000;
	s0 =	simm.s32 $0x0  }
.LBB2_3:
0x1e: {  	s6 =	sshll.u32 s7, $0x4  }
0x1f: {  	s8 =	simm.s32 $0x0;
	v3 =	vadd.s32 s6, v1  }
0x20: {  	v4 =	vor.u32 s6, v0;
	v6 =	vmov s8;
	v5 =	vshra.s32 v3, $0x1  }
0x21: {  	vm0 =	vlt.u32 v3, $0x180;
	v3 =	vadd.s32 v2, v5;
	v5 =	vshrl.u32 v6, $0x3  }
0x22: {  	v3 =	vsel vm0, v3, v4;
	v4 =	vmul.u32 $0x1800, v5  }
0x23: {  	v5 =	vshll.u32 v3, $0x3  }
0x24: {  	v3 =	vand.u32 $0x7F, v3;
	v5 =	vand.u32 $0xFFFFFC00, v5;
	v11 =	vbroadcast v4, $0x0  }
0x25: {  	v3 =	vor.u32 v3, v5  }
0x26: {  	s18 =	simm.s32 $0x8;
	v4 =	vor.u32 $0x80, v3;
	v10 =	vadd.s32 v3, v11  }
0x27: {  	v8 =	vmov s18;
	v7 =	vor.u32 $0x200, v3;
	v12 =	vadd.s32 v4, v11  }
0x28: {  	v9 =	vshrl.u32 v8, $0x3;
	v6 =	vor.u32 $0x380, v3;
	v13 =	vadd.s32 v7, v11  }
0x29: {  	s29 =	sshll.u32 s1, $0x2;
	s31 =	sand.u32 $0x7, s0;
	v16 =	vmul.u32 $0x1800, v9;
	v5 =	vor.u32 $0x300, v3;
	v15 =	vadd.s32 v6, v11  }
0x2a: {  	s6 =	sand.u32 $0xFFFFF000, s29;
	s8 =	sshll.u32 s31, $0x6;
	v9 =	vor.u32 $0x100, v3;
	v14 =	vadd.s32 v5, v11  }
0x2b: {  	s6 =	sor.u32 s8, s6;
	v21 =	vbroadcast v16, $0x0;
	v8 =	vor.u32 $0x180, v3;
	v19 =	vadd.s32 v9, v11;
	v18 =	vld.idx.msk [tilespmem:v10+s4+$0x0], $0xffff  }
0x2c: {  	s6 =	sshrl.u32 s6, $0x2;
	v17 =	vadd.s32 v8, v11;
	v20 =	vld.idx.msk [tilespmem:v12+s4+$0x0], $0xffff  }
0x2d: {  	s8 =	sadd.s32 $0x12200, s6;
	s6 =	simm.s32 $0x10;
	v23 =	vadd.s32 v7, v21;
	v12 =	vld.idx.msk [tilespmem:v13+s4+$0x0], $0xffff  }
0x2e: {  	v26 =	vadd.s32 v6, v21;
	v10 =	vor.u32 $0x280, v3;
	v22 =	vld.idx.msk [tilespmem:v15+s4+$0x0], $0xffff;
	v15 =	vmov s6  }
0x2f: {  	v11 =	vadd.s32 v10, v11;
	v13 =	vld.idx.msk [tilespmem:v14+s4+$0x0], $0xffff;
	v15 =	vshrl.u32 v15, $0x3  }
0x30: {  	v16 =	vadd.s32 v4, v21;
	v27 =	vld.idx.msk [tilespmem:v19+s4+$0x0], $0xffff;
	v19 =	vmul.u32 $0x1800, v15  }
0x31: {  	v14 =	vadd.s32 v3, v21;
	v24 =	vld.idx.msk [tilespmem:v17+s4+$0x0], $0xffff  }
0x32: {  	v17 =	vadd.s32 v5, v21;
	v25 =	vbroadcast v19, $0x0;
	v19 =	vld.idx.msk [tilespmem:v23+s4+$0x0], $0xffff  }
0x33: {  	[tilespmem:s8+$0xFFFFFE00] =	vst v18;
	v23 =	vld.idx.msk [tilespmem:v26+s4+$0x0], $0xffff  }
0x34: {  	[tilespmem:s8+$0x0] =	vst v12;
	v18 =	vld.idx.msk [tilespmem:v11+s4+$0x0], $0xffff  }
0x35: {  	[tilespmem:s8+$0x100] =	vst v13;
	v12 =	vld.idx.msk [tilespmem:v16+s4+$0x0], $0xffff;
	v16 =	vadd.s32 v8, v21  }
0x36: {  	v15 =	vld.idx.msk [tilespmem:v14+s4+$0x0], $0xffff;
	[tilespmem:s8+$0x180] =	vst v22;
	v11 =	vadd.s32 v9, v21  }
0x37: {  	[tilespmem:s8+$0xFFFFFE80] =	vst v20;
	v13 =	vadd.s32 v10, v21;
	v17 =	vld.idx.msk [tilespmem:v17+s4+$0x0], $0xffff  }
0x38: {  	[tilespmem:s8+$0xFFFFFF80] =	vst v24;
	v21 =	vadd.s32 v3, v25;
	v14 =	vadd.s32 v4, v25;
	v20 =	vadd.s32 v9, v25  }
0x39: {  	[tilespmem:s8+$0xFFFFFF00] =	vst v27;
	v26 =	vadd.s32 v8, v25;
	v24 =	vadd.s32 v7, v25;
	v22 =	vadd.s32 v10, v25  }
.LBB2_4:
0x3a: {  	s6 =	sadd.s32 $0x8, s6;
	v27 =	vadd.s32 v5, v25;
	v28 =	vadd.s32 v6, v25;
	v29 =	vld.idx.msk [tilespmem:v16+s4+$0x0], $0xffff;
	[tilespmem:s8+$0x80] =	vst v18;
	s8 =	sadd.s32 $0x1800, s8;
	v16 =	vmov v26  }
0x3b: {  	v26 =	vmov v12;
	v18 =	vmov s6;
	p1 =	slt.u32 s6, $0x18;
	[tilespmem:s8+$0xFFFFFE00] =	vst v15;
	v30 =	vld.idx.msk [tilespmem:v11+s4+$0x0], $0xffff;
	v11 =	vmov v20  }
0x3c: {  	v12 =	vshrl.u32 v18, $0x3;
	[tilespmem:s8+$0x0] =	vst v19;
	v18 =	vld.idx.msk [tilespmem:v13+s4+$0x0], $0xffff;
	v13 =	vmov v22  }
0x3d: {  	v19 =	vmul.u32 $0x1800, v12;
	v15 =	vld.idx.msk [tilespmem:v21+s4+$0x0], $0xffff;
	[tilespmem:s8+$0x100] =	vst v17  }
.Ltmp0:
0x3e: {  	v12 =	vld.idx.msk [tilespmem:v14+s4+$0x0], $0xffff;
	[tilespmem:s8+$0x180] =	vst v23;
	(pc) =	sbr.rel @p1 .LBB2_4-.Ltmp0, $4  }
0x3f: {  	v25 =	vbroadcast v19, $0x0;
	v19 =	vld.idx.msk [tilespmem:v24+s4+$0x0], $0xffff;
	[tilespmem:s8+$0xFFFFFE80] =	vst v26  }
0x40: {  	v17 =	vld.idx.msk [tilespmem:v27+s4+$0x0], $0xffff;
	[tilespmem:s8+$0xFFFFFF80] =	vst v29  }
0x41: {  	v21 =	vadd.s32 v3, v25;
	v14 =	vadd.s32 v4, v25;
	v20 =	vadd.s32 v9, v25;
	v23 =	vld.idx.msk [tilespmem:v28+s4+$0x0], $0xffff  }
0x42: {  	v26 =	vadd.s32 v8, v25;
	v24 =	vadd.s32 v7, v25;
	v22 =	vadd.s32 v10, v25;
	[tilespmem:s8+$0xFFFFFF00] =	vst v30  }
0x43: {  	_ =	sdelay $0x2  }
0x44: {  	[tilespmem:s8+$0x80] =	vst v18;
	s6 =	sadd.s32 $0x1800, s8  }
0x45: {  	v4 =	vld.idx.msk [tilespmem:v16+s4+$0x0], $0xffff;
	[tilespmem:s6+$0xFFFFFE00] =	vst v15  }
0x46: {  	v58 =	vld.idx.msk [tilespmem:v11+s4+$0x0], $0xffff;
	[tilespmem:s6+$0x0] =	vst v19  }
0x47: {  	v7 =	vld.idx.msk [tilespmem:v13+s4+$0x0], $0xffff;
	[tilespmem:s6+$0xFFFFFE80] =	vst v12  }
0x48: {  	v8 =	vld.idx.msk [tilespmem:v21+s4+$0x0], $0xffff;
	[tilespmem:s6+$0x100] =	vst v17  }
0x49: {  	v3 =	vadd.s32 v5, v25;
	v9 =	vld.idx.msk [tilespmem:v24+s4+$0x0], $0xffff;
	[tilespmem:s6+$0x180] =	vst v23  }
0x4a: {  	v57 =	vadd.s32 v6, v25;
	v60 =	vld.idx.msk [tilespmem:v14+s4+$0x0], $0xffff;
	[tilespmem:s6+$0xFFFFFF80] =	vst v4  }
0x4b: {  	v61 =	vld.idx.msk [tilespmem:v26+s4+$0x0], $0xffff;
	[tilespmem:s6+$0xFFFFFF00] =	vst v58  }
0x4c: {  	v62 =	vld.idx.msk [tilespmem:v20+s4+$0x0], $0xffff;
	[tilespmem:s6+$0x80] =	vst v7;
	s6 =	sadd.s32 $0x1800, s6  }
0x4d: {  	v63 =	vld.idx.msk [tilespmem:v22+s4+$0x0], $0xffff;
	[tilespmem:s6+$0xFFFFFE00] =	vst v8  }
0x4e: {  	s7 =	sadd.s32 $0x1, s7;
	v3 =	vld.idx.msk [tilespmem:v3+s4+$0x0], $0xffff;
	[tilespmem:s6+$0x0] =	vst v9  }
0x4f: {  	p1 =	sne.s32 s7, $0x30;
	v59 =	vld.idx.msk [tilespmem:v57+s4+$0x0], $0xffff;
	[tilespmem:s6+$0xFFFFFE80] =	vst v60  }
.Ltmp1:
0x50: {  	[tilespmem:s6+$0xFFFFFF80] =	vst v61;
	(pc) =	sbr.rel @p1 .LBB2_3-.Ltmp1, $4  }
0x51: {  	[tilespmem:s6+$0xFFFFFF00] =	vst v62  }
0x52: {  	[tilespmem:s6+$0x80] =	vst v63  }
0x53: {  	[tilespmem:s6+$0x100] =	vst v3  }
0x54: {  	s1 =	sadd.s32 $0x80, s1;
	s0 =	sadd.s32 $0x1, s0;
	[tilespmem:s6+$0x180] =	vst v59  }
0x55: {  	s7 =	smul.u32 $0x300, s30;
	_ =	sdelay $0x1  }
0x56: {  	s8 =	smul.u32 $0xC0, s30;
	s0 =	sadd.s32 s9, s7  }
0x57: {  	s1 =	smul.u32 $0x300, s0  }
0x58: {  	s29 =	sor.u32 s5, s8  }
0x59: {  	s31 =	smul.u32 $0xC00, s29;
	s6 =	sadd.s32 s2, s1  }
0x5a: {  	[tilespmem:s4], [sflag:$0x1] =	stream.linear.gather [hbm4b:s6+s4], $0x6000, $0x38;
	[tilespmem:$0x1E000] =	vst v63  }
0x5b: {  	s0 =	sadd.s32 s3, s31  }
0x5c: {  	[hbm4b:s0+s4] =	stream.linear.scatter [tilespmem:s22], [sflag:$0x4], $0x6000, $0x38;
	[tilespmem:$0x1E000] =	vst v63  }
0x5d: {  	_ =	swait.ge [sflag:s23], $0x6000  }
0x5e: {  	[sflag:s23] =	ssyncset.done $0x0  }
0x5f: {  	s0 =	simm.s32 @!p0 $0x5;
	[sflag:s23] =	ssyncadd.s32 $0xFFFFA000  }
0x60: {  	_ =	swait.ge @!p0 [sflag:s0], $0x6000  }
0x61: {  	s17 =	simm.s32 $0x0;
	[sflag:s0] =	ssyncset.done @!p0 $0x0  }
0x62: {  	s18 =	simm.s32 $0x0;
	[sflag:s0] =	ssyncadd.s32 @!p0 $0xFFFFA000;
	s0 =	simm.s32 $0x0  }
.LBB2_7:
0x63: {  	s6 =	sshll.u32 s18, $0x4  }
0x64: {  	s29 =	simm.s32 $0x0;
	v3 =	vadd.s32 s6, v1  }
0x65: {  	v4 =	vor.u32 s6, v0;
	v6 =	vmov s29;
	v5 =	vshra.s32 v3, $0x1  }
0x66: {  	vm0 =	vlt.u32 v3, $0x180;
	v3 =	vadd.s32 v2, v5;
	v5 =	vshrl.u32 v6, $0x3  }
0x67: {  	v3 =	vsel vm0, v3, v4;
	v4 =	vmul.u32 $0x1800, v5  }
0x68: {  	v5 =	vshll.u32 v3, $0x3  }
0x69: {  	v3 =	vand.u32 $0x7F, v3;
	v5 =	vand.u32 $0xFFFFFC00, v5;
	v11 =	vbroadcast v4, $0x0  }
0x6a: {  	v3 =	vor.u32 v3, v5  }
0x6b: {  	s6 =	simm.s32 $0x8;
	v4 =	vor.u32 $0x80, v3;
	v10 =	vadd.s32 v3, v11  }
0x6c: {  	v8 =	vmov s6;
	v7 =	vor.u32 $0x200, v3;
	v12 =	vadd.s32 v4, v11  }
0x6d: {  	v9 =	vshrl.u32 v8, $0x3;
	v6 =	vor.u32 $0x380, v3;
	v13 =	vadd.s32 v7, v11  }
0x6e: {  	v16 =	vmul.u32 $0x1800, v9;
	v5 =	vor.u32 $0x300, v3;
	v15 =	vadd.s32 v6, v11  }
0x6f: {  	v9 =	vor.u32 $0x100, v3;
	v14 =	vadd.s32 v5, v11  }
0x70: {  	s29 =	sand.u32 $0x7, s0;
	s6 =	sshll.u32 s17, $0x2;
	v21 =	vbroadcast v16, $0x0;
	v8 =	vor.u32 $0x180, v3;
	v19 =	vadd.s32 v9, v11;
	v18 =	vld.idx.msk [tilespmem:v10+s19+$0x0], $0xffff  }
0x71: {  	s29 =	sshll.u32 s29, $0x6;
	s6 =	sand.u32 $0xFFFFF000, s6;
	v17 =	vadd.s32 v8, v11;
	v20 =	vld.idx.msk [tilespmem:v12+s19+$0x0], $0xffff  }
0x72: {  	s6 =	sor.u32 s29, s6;
	s29 =	simm.s32 $0x10;
	v23 =	vadd.s32 v7, v21;
	v12 =	vld.idx.msk [tilespmem:v13+s19+$0x0], $0xffff  }
0x73: {  	v26 =	vadd.s32 v6, v21;
	v10 =	vor.u32 $0x280, v3;
	v22 =	vld.idx.msk [tilespmem:v15+s19+$0x0], $0xffff;
	v15 =	vmov s29  }
0x74: {  	v11 =	vadd.s32 v10, v11;
	v13 =	vld.idx.msk [tilespmem:v14+s19+$0x0], $0xffff;
	v15 =	vshrl.u32 v15, $0x3  }
0x75: {  	v16 =	vadd.s32 v4, v21;
	v27 =	vld.idx.msk [tilespmem:v19+s19+$0x0], $0xffff;
	v19 =	vmul.u32 $0x1800, v15  }
0x76: {  	s6 =	sshrl.u32 s6, $0x2;
	v14 =	vadd.s32 v3, v21;
	v24 =	vld.idx.msk [tilespmem:v17+s19+$0x0], $0xffff  }
0x77: {  	s6 =	sadd.s32 $0x18200, s6;
	v17 =	vadd.s32 v5, v21;
	v25 =	vbroadcast v19, $0x0;
	v19 =	vld.idx.msk [tilespmem:v23+s19+$0x0], $0xffff  }
0x78: {  	[tilespmem:s6+$0xFFFFFE00] =	vst v18;
	v23 =	vld.idx.msk [tilespmem:v26+s19+$0x0], $0xffff  }
0x79: {  	[tilespmem:s6+$0x0] =	vst v12;
	v18 =	vld.idx.msk [tilespmem:v11+s19+$0x0], $0xffff  }
0x7a: {  	[tilespmem:s6+$0x100] =	vst v13;
	v12 =	vld.idx.msk [tilespmem:v16+s19+$0x0], $0xffff;
	v16 =	vadd.s32 v8, v21  }
0x7b: {  	v15 =	vld.idx.msk [tilespmem:v14+s19+$0x0], $0xffff;
	[tilespmem:s6+$0x180] =	vst v22;
	v11 =	vadd.s32 v9, v21  }
0x7c: {  	[tilespmem:s6+$0xFFFFFE80] =	vst v20;
	v13 =	vadd.s32 v10, v21;
	v17 =	vld.idx.msk [tilespmem:v17+s19+$0x0], $0xffff  }
0x7d: {  	[tilespmem:s6+$0xFFFFFF80] =	vst v24;
	v21 =	vadd.s32 v3, v25;
	v14 =	vadd.s32 v4, v25;
	v20 =	vadd.s32 v9, v25  }
0x7e: {  	[tilespmem:s6+$0xFFFFFF00] =	vst v27;
	v26 =	vadd.s32 v8, v25;
	v24 =	vadd.s32 v7, v25;
	v22 =	vadd.s32 v10, v25  }
.LBB2_8:
0x7f: {  	s29 =	sadd.s32 $0x8, s29;
	v27 =	vadd.s32 v5, v25;
	v28 =	vadd.s32 v6, v25;
	v29 =	vld.idx.msk [tilespmem:v16+s19+$0x0], $0xffff;
	[tilespmem:s6+$0x80] =	vst v18;
	s6 =	sadd.s32 $0x1800, s6;
	v16 =	vmov v26  }
0x80: {  	v26 =	vmov v12;
	v18 =	vmov s29;
	p0 =	slt.u32 s29, $0x18;
	[tilespmem:s6+$0xFFFFFE00] =	vst v15;
	v30 =	vld.idx.msk [tilespmem:v11+s19+$0x0], $0xffff;
	v11 =	vmov v20  }
0x81: {  	v12 =	vshrl.u32 v18, $0x3;
	[tilespmem:s6+$0x0] =	vst v19;
	v18 =	vld.idx.msk [tilespmem:v13+s19+$0x0], $0xffff;
	v13 =	vmov v22  }
0x82: {  	v19 =	vmul.u32 $0x1800, v12;
	v15 =	vld.idx.msk [tilespmem:v21+s19+$0x0], $0xffff;
	[tilespmem:s6+$0x100] =	vst v17  }
.Ltmp2:
0x83: {  	v12 =	vld.idx.msk [tilespmem:v14+s19+$0x0], $0xffff;
	[tilespmem:s6+$0x180] =	vst v23;
	(pc) =	sbr.rel @p0 .LBB2_8-.Ltmp2, $4  }
0x84: {  	v25 =	vbroadcast v19, $0x0;
	v19 =	vld.idx.msk [tilespmem:v24+s19+$0x0], $0xffff;
	[tilespmem:s6+$0xFFFFFE80] =	vst v26  }
0x85: {  	v17 =	vld.idx.msk [tilespmem:v27+s19+$0x0], $0xffff;
	[tilespmem:s6+$0xFFFFFF80] =	vst v29  }
0x86: {  	v21 =	vadd.s32 v3, v25;
	v14 =	vadd.s32 v4, v25;
	v20 =	vadd.s32 v9, v25;
	v23 =	vld.idx.msk [tilespmem:v28+s19+$0x0], $0xffff  }
0x87: {  	v26 =	vadd.s32 v8, v25;
	v24 =	vadd.s32 v7, v25;
	v22 =	vadd.s32 v10, v25;
	[tilespmem:s6+$0xFFFFFF00] =	vst v30  }
0x88: {  	_ =	sdelay $0x2  }
0x89: {  	[tilespmem:s6+$0x80] =	vst v18;
	s29 =	sadd.s32 $0x1800, s6  }
0x8a: {  	v4 =	vld.idx.msk [tilespmem:v16+s19+$0x0], $0xffff;
	[tilespmem:s29+$0xFFFFFE00] =	vst v15  }
0x8b: {  	v58 =	vld.idx.msk [tilespmem:v11+s19+$0x0], $0xffff;
	[tilespmem:s29+$0x0] =	vst v19  }
0x8c: {  	v7 =	vld.idx.msk [tilespmem:v13+s19+$0x0], $0xffff;
	[tilespmem:s29+$0xFFFFFE80] =	vst v12  }
0x8d: {  	v8 =	vld.idx.msk [tilespmem:v21+s19+$0x0], $0xffff;
	[tilespmem:s29+$0x100] =	vst v17  }
0x8e: {  	v3 =	vadd.s32 v5, v25;
	v9 =	vld.idx.msk [tilespmem:v24+s19+$0x0], $0xffff;
	[tilespmem:s29+$0x180] =	vst v23  }
0x8f: {  	v57 =	vadd.s32 v6, v25;
	v60 =	vld.idx.msk [tilespmem:v14+s19+$0x0], $0xffff;
	[tilespmem:s29+$0xFFFFFF80] =	vst v4  }
0x90: {  	v61 =	vld.idx.msk [tilespmem:v26+s19+$0x0], $0xffff;
	[tilespmem:s29+$0xFFFFFF00] =	vst v58  }
0x91: {  	v62 =	vld.idx.msk [tilespmem:v20+s19+$0x0], $0xffff;
	s6 =	sadd.s32 $0x1800, s29;
	[tilespmem:s29+$0x80] =	vst v7  }
0x92: {  	v63 =	vld.idx.msk [tilespmem:v22+s19+$0x0], $0xffff;
	[tilespmem:s6+$0xFFFFFE00] =	vst v8  }
0x93: {  	s18 =	sadd.s32 $0x1, s18;
	v3 =	vld.idx.msk [tilespmem:v3+s19+$0x0], $0xffff;
	[tilespmem:s6+$0x0] =	vst v9  }
0x94: {  	p0 =	sne.s32 s18, $0x30;
	v59 =	vld.idx.msk [tilespmem:v57+s19+$0x0], $0xffff;
	[tilespmem:s6+$0xFFFFFE80] =	vst v60  }
.Ltmp3:
0x95: {  	[tilespmem:s6+$0xFFFFFF80] =	vst v61;
	(pc) =	sbr.rel @p0 .LBB2_7-.Ltmp3, $4  }
0x96: {  	[tilespmem:s6+$0xFFFFFF00] =	vst v62  }
0x97: {  	[tilespmem:s6+$0x80] =	vst v63  }
0x98: {  	[tilespmem:s6+$0x100] =	vst v3  }
0x99: {  	s17 =	sadd.s32 $0x80, s17;
	s0 =	sadd.s32 $0x1, s0;
	[tilespmem:s6+$0x180] =	vst v59  }
0x9a: {  	s0 =	sadd.s32 s10, s7  }
0x9b: {  	s0 =	smul.u32 $0x300, s0;
	_ =	sdelay $0x1  }
0x9c: {  	s17 =	simm.s32 $0x0;
	s6 =	sadd.s32 s2, s0  }
0x9d: {  	[tilespmem:s19], [sflag:$0x2] =	stream.linear.gather [hbm4b:s6+s17], $0x6000, $0x38;
	[tilespmem:$0x1E000] =	vst v63  }
0x9e: {  	s29 =	sadd.s32 s31, s16  }
0x9f: {  	[hbm4b:s29+s17] =	stream.linear.scatter [tilespmem:s24], [sflag:$0x5], $0x6000, $0x38;
	[tilespmem:$0x1E000] =	vst v63  }
0xa0: {  	_ =	swait.ge [sflag:s25], $0x6000  }
0xa1: {  	[sflag:s25] =	ssyncset.done $0x0  }
0xa2: {  	[sflag:s25] =	ssyncadd.s32 $0xFFFFA000  }
0xa3: {  	_ =	swait.ge [sflag:s26], $0x6000  }
0xa4: {  	[sflag:s26] =	ssyncset.done $0x0  }
0xa5: {  	s31 =	simm.s32 $0x0;
	s18 =	simm.s32 $0x0;
	[sflag:s26] =	ssyncadd.s32 $0xFFFFA000  }
.LBB2_11:
0xa6: {  	s6 =	sshll.u32 s18, $0x4  }
0xa7: {  	s29 =	simm.s32 $0x0;
	v3 =	vadd.s32 s6, v1  }
0xa8: {  	v4 =	vor.u32 s6, v0;
	v6 =	vmov s29;
	v5 =	vshra.s32 v3, $0x1  }
0xa9: {  	vm0 =	vlt.u32 v3, $0x180;
	v3 =	vadd.s32 v2, v5;
	v5 =	vshrl.u32 v6, $0x3  }
0xaa: {  	v3 =	vsel vm0, v3, v4;
	v4 =	vmul.u32 $0x1800, v5  }
0xab: {  	v5 =	vshll.u32 v3, $0x3  }
0xac: {  	v3 =	vand.u32 $0x7F, v3;
	v5 =	vand.u32 $0xFFFFFC00, v5;
	v11 =	vbroadcast v4, $0x0  }
0xad: {  	v3 =	vor.u32 v3, v5  }
0xae: {  	s6 =	simm.s32 $0x8;
	v4 =	vor.u32 $0x80, v3;
	v10 =	vadd.s32 v3, v11  }
0xaf: {  	v8 =	vmov s6;
	v7 =	vor.u32 $0x200, v3;
	v12 =	vadd.s32 v4, v11  }
0xb0: {  	v9 =	vshrl.u32 v8, $0x3;
	v6 =	vor.u32 $0x380, v3;
	v13 =	vadd.s32 v7, v11  }
0xb1: {  	v16 =	vmul.u32 $0x1800, v9;
	v5 =	vor.u32 $0x300, v3;
	v15 =	vadd.s32 v6, v11  }
0xb2: {  	v9 =	vor.u32 $0x100, v3;
	v14 =	vadd.s32 v5, v11  }
0xb3: {  	s29 =	sand.u32 $0x7, s17;
	s6 =	sshll.u32 s31, $0x2;
	v21 =	vbroadcast v16, $0x0;
	v8 =	vor.u32 $0x180, v3;
	v19 =	vadd.s32 v9, v11;
	v18 =	vld.idx.msk [tilespmem:v10+s20+$0x0], $0xffff  }
0xb4: {  	s29 =	sshll.u32 s29, $0x6;
	s6 =	sand.u32 $0xFFFFF000, s6;
	v17 =	vadd.s32 v8, v11;
	v20 =	vld.idx.msk [tilespmem:v12+s20+$0x0], $0xffff  }
0xb5: {  	s6 =	sor.u32 s29, s6;
	s29 =	simm.s32 $0x10;
	v23 =	vadd.s32 v7, v21;
	v12 =	vld.idx.msk [tilespmem:v13+s20+$0x0], $0xffff  }
0xb6: {  	v26 =	vadd.s32 v6, v21;
	v10 =	vor.u32 $0x280, v3;
	v22 =	vld.idx.msk [tilespmem:v15+s20+$0x0], $0xffff;
	v15 =	vmov s29  }
0xb7: {  	v11 =	vadd.s32 v10, v11;
	v13 =	vld.idx.msk [tilespmem:v14+s20+$0x0], $0xffff;
	v15 =	vshrl.u32 v15, $0x3  }
0xb8: {  	v16 =	vadd.s32 v4, v21;
	v27 =	vld.idx.msk [tilespmem:v19+s20+$0x0], $0xffff;
	v19 =	vmul.u32 $0x1800, v15  }
0xb9: {  	s6 =	sshrl.u32 s6, $0x2;
	v14 =	vadd.s32 v3, v21;
	v24 =	vld.idx.msk [tilespmem:v17+s20+$0x0], $0xffff  }
0xba: {  	s6 =	sadd.s32 $0x12200, s6;
	v17 =	vadd.s32 v5, v21;
	v25 =	vbroadcast v19, $0x0;
	v19 =	vld.idx.msk [tilespmem:v23+s20+$0x0], $0xffff  }
0xbb: {  	[tilespmem:s6+$0xFFFFFE00] =	vst v18;
	v23 =	vld.idx.msk [tilespmem:v26+s20+$0x0], $0xffff  }
0xbc: {  	[tilespmem:s6+$0x0] =	vst v12;
	v18 =	vld.idx.msk [tilespmem:v11+s20+$0x0], $0xffff  }
0xbd: {  	[tilespmem:s6+$0x100] =	vst v13;
	v12 =	vld.idx.msk [tilespmem:v16+s20+$0x0], $0xffff;
	v16 =	vadd.s32 v8, v21  }
0xbe: {  	v15 =	vld.idx.msk [tilespmem:v14+s20+$0x0], $0xffff;
	[tilespmem:s6+$0x180] =	vst v22;
	v11 =	vadd.s32 v9, v21  }
0xbf: {  	[tilespmem:s6+$0xFFFFFE80] =	vst v20;
	v13 =	vadd.s32 v10, v21;
	v17 =	vld.idx.msk [tilespmem:v17+s20+$0x0], $0xffff  }
0xc0: {  	[tilespmem:s6+$0xFFFFFF80] =	vst v24;
	v21 =	vadd.s32 v3, v25;
	v14 =	vadd.s32 v4, v25;
	v20 =	vadd.s32 v9, v25  }
0xc1: {  	[tilespmem:s6+$0xFFFFFF00] =	vst v27;
	v26 =	vadd.s32 v8, v25;
	v24 =	vadd.s32 v7, v25;
	v22 =	vadd.s32 v10, v25  }
.LBB2_12:
0xc2: {  	s29 =	sadd.s32 $0x8, s29;
	v27 =	vadd.s32 v5, v25;
	v28 =	vadd.s32 v6, v25;
	v29 =	vld.idx.msk [tilespmem:v16+s20+$0x0], $0xffff;
	[tilespmem:s6+$0x80] =	vst v18;
	s6 =	sadd.s32 $0x1800, s6;
	v16 =	vmov v26  }
0xc3: {  	v26 =	vmov v12;
	v18 =	vmov s29;
	p0 =	slt.u32 s29, $0x18;
	[tilespmem:s6+$0xFFFFFE00] =	vst v15;
	v30 =	vld.idx.msk [tilespmem:v11+s20+$0x0], $0xffff;
	v11 =	vmov v20  }
0xc4: {  	v12 =	vshrl.u32 v18, $0x3;
	[tilespmem:s6+$0x0] =	vst v19;
	v18 =	vld.idx.msk [tilespmem:v13+s20+$0x0], $0xffff;
	v13 =	vmov v22  }
0xc5: {  	v19 =	vmul.u32 $0x1800, v12;
	v15 =	vld.idx.msk [tilespmem:v21+s20+$0x0], $0xffff;
	[tilespmem:s6+$0x100] =	vst v17  }
.Ltmp4:
0xc6: {  	v12 =	vld.idx.msk [tilespmem:v14+s20+$0x0], $0xffff;
	[tilespmem:s6+$0x180] =	vst v23;
	(pc) =	sbr.rel @p0 .LBB2_12-.Ltmp4, $4  }
0xc7: {  	v25 =	vbroadcast v19, $0x0;
	v19 =	vld.idx.msk [tilespmem:v24+s20+$0x0], $0xffff;
	[tilespmem:s6+$0xFFFFFE80] =	vst v26  }
0xc8: {  	v17 =	vld.idx.msk [tilespmem:v27+s20+$0x0], $0xffff;
	[tilespmem:s6+$0xFFFFFF80] =	vst v29  }
0xc9: {  	v21 =	vadd.s32 v3, v25;
	v14 =	vadd.s32 v4, v25;
	v20 =	vadd.s32 v9, v25;
	v23 =	vld.idx.msk [tilespmem:v28+s20+$0x0], $0xffff  }
0xca: {  	v26 =	vadd.s32 v8, v25;
	v24 =	vadd.s32 v7, v25;
	v22 =	vadd.s32 v10, v25;
	[tilespmem:s6+$0xFFFFFF00] =	vst v30  }
0xcb: {  	_ =	sdelay $0x2  }
0xcc: {  	[tilespmem:s6+$0x80] =	vst v18;
	s29 =	sadd.s32 $0x1800, s6  }
0xcd: {  	v4 =	vld.idx.msk [tilespmem:v16+s20+$0x0], $0xffff;
	[tilespmem:s29+$0xFFFFFE00] =	vst v15  }
0xce: {  	v58 =	vld.idx.msk [tilespmem:v11+s20+$0x0], $0xffff;
	[tilespmem:s29+$0x0] =	vst v19  }
0xcf: {  	v7 =	vld.idx.msk [tilespmem:v13+s20+$0x0], $0xffff;
	[tilespmem:s29+$0xFFFFFE80] =	vst v12  }
0xd0: {  	v8 =	vld.idx.msk [tilespmem:v21+s20+$0x0], $0xffff;
	[tilespmem:s29+$0x100] =	vst v17  }
0xd1: {  	v3 =	vadd.s32 v5, v25;
	v9 =	vld.idx.msk [tilespmem:v24+s20+$0x0], $0xffff;
	[tilespmem:s29+$0x180] =	vst v23  }
0xd2: {  	v57 =	vadd.s32 v6, v25;
	v60 =	vld.idx.msk [tilespmem:v14+s20+$0x0], $0xffff;
	[tilespmem:s29+$0xFFFFFF80] =	vst v4  }
0xd3: {  	v61 =	vld.idx.msk [tilespmem:v26+s20+$0x0], $0xffff;
	[tilespmem:s29+$0xFFFFFF00] =	vst v58  }
0xd4: {  	v62 =	vld.idx.msk [tilespmem:v20+s20+$0x0], $0xffff;
	s6 =	sadd.s32 $0x1800, s29;
	[tilespmem:s29+$0x80] =	vst v7  }
0xd5: {  	v63 =	vld.idx.msk [tilespmem:v22+s20+$0x0], $0xffff;
	[tilespmem:s6+$0xFFFFFE00] =	vst v8  }
0xd6: {  	s18 =	sadd.s32 $0x1, s18;
	v3 =	vld.idx.msk [tilespmem:v3+s20+$0x0], $0xffff;
	[tilespmem:s6+$0x0] =	vst v9  }
0xd7: {  	p0 =	sne.s32 s18, $0x30;
	v59 =	vld.idx.msk [tilespmem:v57+s20+$0x0], $0xffff;
	[tilespmem:s6+$0xFFFFFE80] =	vst v60  }
.Ltmp5:
0xd8: {  	[tilespmem:s6+$0xFFFFFF80] =	vst v61;
	(pc) =	sbr.rel @p0 .LBB2_11-.Ltmp5, $4  }
0xd9: {  	[tilespmem:s6+$0xFFFFFF00] =	vst v62  }
0xda: {  	[tilespmem:s6+$0x80] =	vst v63  }
0xdb: {  	[tilespmem:s6+$0x100] =	vst v3  }
0xdc: {  	s31 =	sadd.s32 $0x80, s31;
	s17 =	sadd.s32 $0x1, s17;
	[tilespmem:s6+$0x180] =	vst v59  }
0xdd: {  	s6 =	sadd.s32 s11, s7  }
0xde: {  	s31 =	smul.u32 $0x300, s6  }
0xdf: {  	s18 =	sadd.s32 s12, s8  }
0xe0: {  	s7 =	simm.s32 $0x0;
	s6 =	smul.u32 $0xC00, s18;
	s29 =	sadd.s32 s2, s31  }
0xe1: {  	[tilespmem:s20], [sflag:$0x3] =	stream.linear.gather [hbm4b:s29+s7], $0x6000, $0x38;
	[tilespmem:$0x1E000] =	vst v63  }
0xe2: {  	s6 =	sadd.s32 s3, s6  }
0xe3: {  	[hbm4b:s6+s7] =	stream.linear.scatter [tilespmem:s22], [sflag:$0x4], $0x6000, $0x38;
	[tilespmem:$0x1E000] =	vst v63  }
0xe4: {  	_ =	swait.ge [sflag:s21], $0x6000  }
0xe5: {  	[sflag:s21] =	ssyncset.done $0x0  }
0xe6: {  	[sflag:s21] =	ssyncadd.s32 $0xFFFFA000  }
0xe7: {  	_ =	swait.ge [sflag:s28], $0x6000  }
0xe8: {  	[sflag:s28] =	ssyncset.done $0x0  }
0xe9: {  	s8 =	simm.s32 $0x0;
	s17 =	simm.s32 $0x0;
	[sflag:s28] =	ssyncadd.s32 $0xFFFFA000  }
.LBB2_15:
0xea: {  	s6 =	sshll.u32 s17, $0x4  }
0xeb: {  	s18 =	simm.s32 $0x0;
	v3 =	vadd.s32 s6, v1  }
0xec: {  	v4 =	vor.u32 s6, v0;
	v6 =	vmov s18;
	v5 =	vshra.s32 v3, $0x1  }
0xed: {  	vm0 =	vlt.u32 v3, $0x180;
	v3 =	vadd.s32 v2, v5;
	v5 =	vshrl.u32 v6, $0x3  }
0xee: {  	v3 =	vsel vm0, v3, v4;
	v4 =	vmul.u32 $0x1800, v5  }
0xef: {  	v5 =	vshll.u32 v3, $0x3  }
0xf0: {  	v3 =	vand.u32 $0x7F, v3;
	v5 =	vand.u32 $0xFFFFFC00, v5;
	v11 =	vbroadcast v4, $0x0  }
0xf1: {  	v3 =	vor.u32 v3, v5  }
0xf2: {  	s29 =	simm.s32 $0x8;
	v4 =	vor.u32 $0x80, v3;
	v10 =	vadd.s32 v3, v11  }
0xf3: {  	v8 =	vmov s29;
	v7 =	vor.u32 $0x200, v3;
	v12 =	vadd.s32 v4, v11  }
0xf4: {  	v9 =	vshrl.u32 v8, $0x3;
	v6 =	vor.u32 $0x380, v3;
	v13 =	vadd.s32 v7, v11  }
0xf5: {  	v16 =	vmul.u32 $0x1800, v9;
	v5 =	vor.u32 $0x300, v3;
	v15 =	vadd.s32 v6, v11  }
0xf6: {  	v9 =	vor.u32 $0x100, v3;
	v14 =	vadd.s32 v5, v11  }
0xf7: {  	s18 =	sshll.u32 s8, $0x2;
	s29 =	sand.u32 $0x7, s7;
	v21 =	vbroadcast v16, $0x0;
	v8 =	vor.u32 $0x180, v3;
	v19 =	vadd.s32 v9, v11;
	v18 =	vld.idx.msk [tilespmem:v10+s4+$0x0], $0xffff  }
0xf8: {  	s6 =	sand.u32 $0xFFFFF000, s18;
	s18 =	sshll.u32 s29, $0x6;
	v17 =	vadd.s32 v8, v11;
	v20 =	vld.idx.msk [tilespmem:v12+s4+$0x0], $0xffff  }
0xf9: {  	s6 =	sor.u32 s18, s6;
	s18 =	simm.s32 $0x10;
	v23 =	vadd.s32 v7, v21;
	v12 =	vld.idx.msk [tilespmem:v13+s4+$0x0], $0xffff  }
0xfa: {  	v26 =	vadd.s32 v6, v21;
	v10 =	vor.u32 $0x280, v3;
	v22 =	vld.idx.msk [tilespmem:v15+s4+$0x0], $0xffff;
	v15 =	vmov s18  }
0xfb: {  	v11 =	vadd.s32 v10, v11;
	v13 =	vld.idx.msk [tilespmem:v14+s4+$0x0], $0xffff;
	v15 =	vshrl.u32 v15, $0x3  }
0xfc: {  	v16 =	vadd.s32 v4, v21;
	v27 =	vld.idx.msk [tilespmem:v19+s4+$0x0], $0xffff;
	v19 =	vmul.u32 $0x1800, v15  }
0xfd: {  	s6 =	sshrl.u32 s6, $0x2;
	v14 =	vadd.s32 v3, v21;
	v24 =	vld.idx.msk [tilespmem:v17+s4+$0x0], $0xffff  }
0xfe: {  	s6 =	sadd.s32 $0x18200, s6;
	v17 =	vadd.s32 v5, v21;
	v25 =	vbroadcast v19, $0x0;
	v19 =	vld.idx.msk [tilespmem:v23+s4+$0x0], $0xffff  }
0xff: {  	[tilespmem:s6+$0xFFFFFE00] =	vst v18;
	v23 =	vld.idx.msk [tilespmem:v26+s4+$0x0], $0xffff  }
0x100: {  	[tilespmem:s6+$0x0] =	vst v12;
	v18 =	vld.idx.msk [tilespmem:v11+s4+$0x0], $0xffff  }
0x101: {  	[tilespmem:s6+$0x100] =	vst v13;
	v12 =	vld.idx.msk [tilespmem:v16+s4+$0x0], $0xffff;
	v16 =	vadd.s32 v8, v21  }
0x102: {  	v15 =	vld.idx.msk [tilespmem:v14+s4+$0x0], $0xffff;
	[tilespmem:s6+$0x180] =	vst v22;
	v11 =	vadd.s32 v9, v21  }
0x103: {  	[tilespmem:s6+$0xFFFFFE80] =	vst v20;
	v13 =	vadd.s32 v10, v21;
	v17 =	vld.idx.msk [tilespmem:v17+s4+$0x0], $0xffff  }
0x104: {  	[tilespmem:s6+$0xFFFFFF80] =	vst v24;
	v21 =	vadd.s32 v3, v25;
	v14 =	vadd.s32 v4, v25;
	v20 =	vadd.s32 v9, v25  }
0x105: {  	[tilespmem:s6+$0xFFFFFF00] =	vst v27;
	v26 =	vadd.s32 v8, v25;
	v24 =	vadd.s32 v7, v25;
	v22 =	vadd.s32 v10, v25  }
.LBB2_16:
0x106: {  	s18 =	sadd.s32 $0x8, s18;
	v27 =	vadd.s32 v5, v25;
	v28 =	vadd.s32 v6, v25;
	v29 =	vld.idx.msk [tilespmem:v16+s4+$0x0], $0xffff;
	[tilespmem:s6+$0x80] =	vst v18;
	s6 =	sadd.s32 $0x1800, s6;
	v16 =	vmov v26  }
0x107: {  	v26 =	vmov v12;
	v18 =	vmov s18;
	p0 =	slt.u32 s18, $0x18;
	[tilespmem:s6+$0xFFFFFE00] =	vst v15;
	v30 =	vld.idx.msk [tilespmem:v11+s4+$0x0], $0xffff;
	v11 =	vmov v20  }
0x108: {  	v12 =	vshrl.u32 v18, $0x3;
	[tilespmem:s6+$0x0] =	vst v19;
	v18 =	vld.idx.msk [tilespmem:v13+s4+$0x0], $0xffff;
	v13 =	vmov v22  }
0x109: {  	v19 =	vmul.u32 $0x1800, v12;
	v15 =	vld.idx.msk [tilespmem:v21+s4+$0x0], $0xffff;
	[tilespmem:s6+$0x100] =	vst v17  }
.Ltmp6:
0x10a: {  	v12 =	vld.idx.msk [tilespmem:v14+s4+$0x0], $0xffff;
	[tilespmem:s6+$0x180] =	vst v23;
	(pc) =	sbr.rel @p0 .LBB2_16-.Ltmp6, $4  }
0x10b: {  	v25 =	vbroadcast v19, $0x0;
	v19 =	vld.idx.msk [tilespmem:v24+s4+$0x0], $0xffff;
	[tilespmem:s6+$0xFFFFFE80] =	vst v26  }
0x10c: {  	v17 =	vld.idx.msk [tilespmem:v27+s4+$0x0], $0xffff;
	[tilespmem:s6+$0xFFFFFF80] =	vst v29  }
0x10d: {  	v21 =	vadd.s32 v3, v25;
	v14 =	vadd.s32 v4, v25;
	v20 =	vadd.s32 v9, v25;
	v23 =	vld.idx.msk [tilespmem:v28+s4+$0x0], $0xffff  }
0x10e: {  	v26 =	vadd.s32 v8, v25;
	v24 =	vadd.s32 v7, v25;
	v22 =	vadd.s32 v10, v25;
	[tilespmem:s6+$0xFFFFFF00] =	vst v30  }
0x10f: {  	_ =	sdelay $0x2  }
0x110: {  	[tilespmem:s6+$0x80] =	vst v18;
	s29 =	sadd.s32 $0x1800, s6  }
0x111: {  	v4 =	vld.idx.msk [tilespmem:v16+s4+$0x0], $0xffff;
	[tilespmem:s29+$0xFFFFFE00] =	vst v15  }
0x112: {  	v58 =	vld.idx.msk [tilespmem:v11+s4+$0x0], $0xffff;
	[tilespmem:s29+$0x0] =	vst v19  }
0x113: {  	v7 =	vld.idx.msk [tilespmem:v13+s4+$0x0], $0xffff;
	[tilespmem:s29+$0xFFFFFE80] =	vst v12  }
0x114: {  	v8 =	vld.idx.msk [tilespmem:v21+s4+$0x0], $0xffff;
	[tilespmem:s29+$0x100] =	vst v17  }
0x115: {  	v3 =	vadd.s32 v5, v25;
	v9 =	vld.idx.msk [tilespmem:v24+s4+$0x0], $0xffff;
	[tilespmem:s29+$0x180] =	vst v23  }
0x116: {  	v57 =	vadd.s32 v6, v25;
	v60 =	vld.idx.msk [tilespmem:v14+s4+$0x0], $0xffff;
	[tilespmem:s29+$0xFFFFFF80] =	vst v4  }
0x117: {  	v61 =	vld.idx.msk [tilespmem:v26+s4+$0x0], $0xffff;
	[tilespmem:s29+$0xFFFFFF00] =	vst v58  }
0x118: {  	v62 =	vld.idx.msk [tilespmem:v20+s4+$0x0], $0xffff;
	s6 =	sadd.s32 $0x1800, s29;
	[tilespmem:s29+$0x80] =	vst v7  }
0x119: {  	v63 =	vld.idx.msk [tilespmem:v22+s4+$0x0], $0xffff;
	[tilespmem:s6+$0xFFFFFE00] =	vst v8  }
0x11a: {  	s17 =	sadd.s32 $0x1, s17;
	v3 =	vld.idx.msk [tilespmem:v3+s4+$0x0], $0xffff;
	[tilespmem:s6+$0x0] =	vst v9  }
0x11b: {  	p0 =	sne.s32 s17, $0x30;
	v59 =	vld.idx.msk [tilespmem:v57+s4+$0x0], $0xffff;
	[tilespmem:s6+$0xFFFFFE80] =	vst v60  }
.Ltmp7:
0x11c: {  	[tilespmem:s6+$0xFFFFFF80] =	vst v61;
	(pc) =	sbr.rel @p0 .LBB2_15-.Ltmp7, $4  }
0x11d: {  	[tilespmem:s6+$0xFFFFFF00] =	vst v62  }
0x11e: {  	[tilespmem:s6+$0x80] =	vst v63  }
0x11f: {  	[tilespmem:s6+$0x100] =	vst v3  }
0x120: {  	s8 =	sadd.s32 $0x80, s8;
	s7 =	sadd.s32 $0x1, s7;
	[tilespmem:s6+$0x180] =	vst v59  }
0x121: {  	s7 =	smul.u32 $0x1800, s30;
	_ =	sdelay $0x1  }
0x122: {  	s6 =	sadd.s32 s13, s7  }
0x123: {  	s6 =	sshrl.u32 s6, $0x3  }
0x124: {  	s6 =	smul.u32 $0x300, s6;
	_ =	sdelay $0x1  }
0x125: {  	s8 =	simm.s32 $0x0;
	s6 =	sadd.s32 s2, s6  }
0x126: {  	[tilespmem:s8], [sflag:$0x1] =	stream.linear.gather [hbm4b:s6+s8], $0x6000, $0x38;
	[tilespmem:$0x1E000] =	vst v63  }
0x127: {  	s1 =	sadd.s32 s3, s1  }
0x128: {  	[hbm4b:s1+s8] =	stream.linear.scatter [tilespmem:s24], [sflag:$0x5], $0x6000, $0x38;
	[tilespmem:$0x1E000] =	vst v63  }
0x129: {  	_ =	swait.ge [sflag:s23], $0x6000  }
0x12a: {  	[sflag:s23] =	ssyncset.done $0x0  }
0x12b: {  	[sflag:s23] =	ssyncadd.s32 $0xFFFFA000  }
0x12c: {  	_ =	swait.ge [sflag:s26], $0x6000  }
0x12d: {  	[sflag:s26] =	ssyncset.done $0x0  }
0x12e: {  	s17 =	simm.s32 $0x0;
	s1 =	simm.s32 $0x0;
	[sflag:s26] =	ssyncadd.s32 $0xFFFFA000  }
.LBB2_19:
0x12f: {  	s6 =	sshll.u32 s17, $0x4  }
0x130: {  	s18 =	simm.s32 $0x0;
	v3 =	vadd.s32 s6, v1  }
0x131: {  	v4 =	vor.u32 s6, v0;
	v6 =	vmov s18;
	v5 =	vshra.s32 v3, $0x1  }
0x132: {  	vm0 =	vlt.u32 v3, $0x180;
	v3 =	vadd.s32 v2, v5;
	v5 =	vshrl.u32 v6, $0x3  }
0x133: {  	v3 =	vsel vm0, v3, v4;
	v4 =	vmul.u32 $0x1800, v5  }
0x134: {  	v5 =	vshll.u32 v3, $0x3  }
0x135: {  	v3 =	vand.u32 $0x7F, v3;
	v5 =	vand.u32 $0xFFFFFC00, v5;
	v11 =	vbroadcast v4, $0x0  }
0x136: {  	v3 =	vor.u32 v3, v5  }
0x137: {  	s29 =	simm.s32 $0x8;
	v4 =	vor.u32 $0x80, v3;
	v10 =	vadd.s32 v3, v11  }
0x138: {  	v8 =	vmov s29;
	v7 =	vor.u32 $0x200, v3;
	v12 =	vadd.s32 v4, v11  }
0x139: {  	v9 =	vshrl.u32 v8, $0x3;
	v6 =	vor.u32 $0x380, v3;
	v13 =	vadd.s32 v7, v11  }
0x13a: {  	v16 =	vmul.u32 $0x1800, v9;
	v5 =	vor.u32 $0x300, v3;
	v15 =	vadd.s32 v6, v11  }
0x13b: {  	v9 =	vor.u32 $0x100, v3;
	v14 =	vadd.s32 v5, v11  }
0x13c: {  	s18 =	sshll.u32 s1, $0x2;
	s29 =	sand.u32 $0x7, s8;
	v21 =	vbroadcast v16, $0x0;
	v8 =	vor.u32 $0x180, v3;
	v19 =	vadd.s32 v9, v11;
	v18 =	vld.idx.msk [tilespmem:v10+s19+$0x0], $0xffff  }
0x13d: {  	s6 =	sand.u32 $0xFFFFF000, s18;
	s18 =	sshll.u32 s29, $0x6;
	v17 =	vadd.s32 v8, v11;
	v20 =	vld.idx.msk [tilespmem:v12+s19+$0x0], $0xffff  }
0x13e: {  	s6 =	sor.u32 s18, s6;
	s18 =	simm.s32 $0x10;
	v23 =	vadd.s32 v7, v21;
	v12 =	vld.idx.msk [tilespmem:v13+s19+$0x0], $0xffff  }
0x13f: {  	v26 =	vadd.s32 v6, v21;
	v10 =	vor.u32 $0x280, v3;
	v22 =	vld.idx.msk [tilespmem:v15+s19+$0x0], $0xffff;
	v15 =	vmov s18  }
0x140: {  	v11 =	vadd.s32 v10, v11;
	v13 =	vld.idx.msk [tilespmem:v14+s19+$0x0], $0xffff;
	v15 =	vshrl.u32 v15, $0x3  }
0x141: {  	v16 =	vadd.s32 v4, v21;
	v27 =	vld.idx.msk [tilespmem:v19+s19+$0x0], $0xffff;
	v19 =	vmul.u32 $0x1800, v15  }
0x142: {  	s6 =	sshrl.u32 s6, $0x2;
	v14 =	vadd.s32 v3, v21;
	v24 =	vld.idx.msk [tilespmem:v17+s19+$0x0], $0xffff  }
0x143: {  	s6 =	sadd.s32 $0x12200, s6;
	v17 =	vadd.s32 v5, v21;
	v25 =	vbroadcast v19, $0x0;
	v19 =	vld.idx.msk [tilespmem:v23+s19+$0x0], $0xffff  }
0x144: {  	[tilespmem:s6+$0xFFFFFE00] =	vst v18;
	v23 =	vld.idx.msk [tilespmem:v26+s19+$0x0], $0xffff  }
0x145: {  	[tilespmem:s6+$0x0] =	vst v12;
	v18 =	vld.idx.msk [tilespmem:v11+s19+$0x0], $0xffff  }
0x146: {  	[tilespmem:s6+$0x100] =	vst v13;
	v12 =	vld.idx.msk [tilespmem:v16+s19+$0x0], $0xffff;
	v16 =	vadd.s32 v8, v21  }
0x147: {  	v15 =	vld.idx.msk [tilespmem:v14+s19+$0x0], $0xffff;
	[tilespmem:s6+$0x180] =	vst v22;
	v11 =	vadd.s32 v9, v21  }
0x148: {  	[tilespmem:s6+$0xFFFFFE80] =	vst v20;
	v13 =	vadd.s32 v10, v21;
	v17 =	vld.idx.msk [tilespmem:v17+s19+$0x0], $0xffff  }
0x149: {  	[tilespmem:s6+$0xFFFFFF80] =	vst v24;
	v21 =	vadd.s32 v3, v25;
	v14 =	vadd.s32 v4, v25;
	v20 =	vadd.s32 v9, v25  }
0x14a: {  	[tilespmem:s6+$0xFFFFFF00] =	vst v27;
	v26 =	vadd.s32 v8, v25;
	v24 =	vadd.s32 v7, v25;
	v22 =	vadd.s32 v10, v25  }
.LBB2_20:
0x14b: {  	s18 =	sadd.s32 $0x8, s18;
	v27 =	vadd.s32 v5, v25;
	v28 =	vadd.s32 v6, v25;
	v29 =	vld.idx.msk [tilespmem:v16+s19+$0x0], $0xffff;
	[tilespmem:s6+$0x80] =	vst v18;
	s6 =	sadd.s32 $0x1800, s6;
	v16 =	vmov v26  }
0x14c: {  	v26 =	vmov v12;
	v18 =	vmov s18;
	p0 =	slt.u32 s18, $0x18;
	[tilespmem:s6+$0xFFFFFE00] =	vst v15;
	v30 =	vld.idx.msk [tilespmem:v11+s19+$0x0], $0xffff;
	v11 =	vmov v20  }
0x14d: {  	v12 =	vshrl.u32 v18, $0x3;
	[tilespmem:s6+$0x0] =	vst v19;
	v18 =	vld.idx.msk [tilespmem:v13+s19+$0x0], $0xffff;
	v13 =	vmov v22  }
0x14e: {  	v19 =	vmul.u32 $0x1800, v12;
	v15 =	vld.idx.msk [tilespmem:v21+s19+$0x0], $0xffff;
	[tilespmem:s6+$0x100] =	vst v17  }
.Ltmp8:
0x14f: {  	v12 =	vld.idx.msk [tilespmem:v14+s19+$0x0], $0xffff;
	[tilespmem:s6+$0x180] =	vst v23;
	(pc) =	sbr.rel @p0 .LBB2_20-.Ltmp8, $4  }
0x150: {  	v25 =	vbroadcast v19, $0x0;
	v19 =	vld.idx.msk [tilespmem:v24+s19+$0x0], $0xffff;
	[tilespmem:s6+$0xFFFFFE80] =	vst v26  }
0x151: {  	v17 =	vld.idx.msk [tilespmem:v27+s19+$0x0], $0xffff;
	[tilespmem:s6+$0xFFFFFF80] =	vst v29  }
0x152: {  	v21 =	vadd.s32 v3, v25;
	v14 =	vadd.s32 v4, v25;
	v20 =	vadd.s32 v9, v25;
	v23 =	vld.idx.msk [tilespmem:v28+s19+$0x0], $0xffff  }
0x153: {  	v26 =	vadd.s32 v8, v25;
	v24 =	vadd.s32 v7, v25;
	v22 =	vadd.s32 v10, v25;
	[tilespmem:s6+$0xFFFFFF00] =	vst v30  }
0x154: {  	_ =	sdelay $0x2  }
0x155: {  	[tilespmem:s6+$0x80] =	vst v18;
	s29 =	sadd.s32 $0x1800, s6  }
0x156: {  	v4 =	vld.idx.msk [tilespmem:v16+s19+$0x0], $0xffff;
	[tilespmem:s29+$0xFFFFFE00] =	vst v15  }
0x157: {  	v58 =	vld.idx.msk [tilespmem:v11+s19+$0x0], $0xffff;
	[tilespmem:s29+$0x0] =	vst v19  }
0x158: {  	v7 =	vld.idx.msk [tilespmem:v13+s19+$0x0], $0xffff;
	[tilespmem:s29+$0xFFFFFE80] =	vst v12  }
0x159: {  	v8 =	vld.idx.msk [tilespmem:v21+s19+$0x0], $0xffff;
	[tilespmem:s29+$0x100] =	vst v17  }
0x15a: {  	v3 =	vadd.s32 v5, v25;
	v9 =	vld.idx.msk [tilespmem:v24+s19+$0x0], $0xffff;
	[tilespmem:s29+$0x180] =	vst v23  }
0x15b: {  	v57 =	vadd.s32 v6, v25;
	v60 =	vld.idx.msk [tilespmem:v14+s19+$0x0], $0xffff;
	[tilespmem:s29+$0xFFFFFF80] =	vst v4  }
0x15c: {  	v61 =	vld.idx.msk [tilespmem:v26+s19+$0x0], $0xffff;
	[tilespmem:s29+$0xFFFFFF00] =	vst v58  }
0x15d: {  	v62 =	vld.idx.msk [tilespmem:v20+s19+$0x0], $0xffff;
	s6 =	sadd.s32 $0x1800, s29;
	[tilespmem:s29+$0x80] =	vst v7  }
0x15e: {  	v63 =	vld.idx.msk [tilespmem:v22+s19+$0x0], $0xffff;
	[tilespmem:s6+$0xFFFFFE00] =	vst v8  }
0x15f: {  	s17 =	sadd.s32 $0x1, s17;
	v3 =	vld.idx.msk [tilespmem:v3+s19+$0x0], $0xffff;
	[tilespmem:s6+$0x0] =	vst v9  }
0x160: {  	p0 =	sne.s32 s17, $0x30;
	v59 =	vld.idx.msk [tilespmem:v57+s19+$0x0], $0xffff;
	[tilespmem:s6+$0xFFFFFE80] =	vst v60  }
.Ltmp9:
0x161: {  	[tilespmem:s6+$0xFFFFFF80] =	vst v61;
	(pc) =	sbr.rel @p0 .LBB2_19-.Ltmp9, $4  }
0x162: {  	[tilespmem:s6+$0xFFFFFF00] =	vst v62  }
0x163: {  	[tilespmem:s6+$0x80] =	vst v63  }
0x164: {  	[tilespmem:s6+$0x100] =	vst v3  }
0x165: {  	s1 =	sadd.s32 $0x80, s1;
	s8 =	sadd.s32 $0x1, s8;
	[tilespmem:s6+$0x180] =	vst v59  }
0x166: {  	p0 =	seq.s32 s30, $0x7  }
0x167: {  	s1 =	sadd.s32 @!p0 s14, s7  }
0x168: {  	s1 =	sshrl.u32 @!p0 s1, $0x3  }
0x169: {  	s1 =	smul.u32 @!p0 $0x300, s1;
	_ =	sdelay $0x1  }
0x16a: {  	s6 =	simm.s32 @!p0 $0x0;
	s8 =	simm.s32 @!p0 $0x6000;
	s1 =	sadd.s32 @!p0 s2, s1  }
0x16b: {  	[tilespmem:s8], [sflag:$0x2] =	stream.linear.gather @!p0 [hbm4b:s1+s6], $0x6000, $0x38;
	[tilespmem:$0x1E000] =	vst v63  }
0x16c: {  	s29 =	sadd.s32 s3, s0;
	s0 =	simm.s32 $0x0  }
0x16d: {  	[hbm4b:s29+s0] =	stream.linear.scatter [tilespmem:s22], [sflag:$0x4], $0x6000, $0x38;
	[tilespmem:$0x1E000] =	vst v63  }
0x16e: {  	_ =	swait.ge [sflag:s25], $0x6000  }
0x16f: {  	[sflag:s25] =	ssyncset.done $0x0  }
0x170: {  	[sflag:s25] =	ssyncadd.s32 $0xFFFFA000  }
0x171: {  	_ =	swait.ge [sflag:s28], $0x6000  }
0x172: {  	[sflag:s28] =	ssyncset.done $0x0  }
0x173: {  	s1 =	simm.s32 $0x0;
	s8 =	simm.s32 $0x0;
	[sflag:s28] =	ssyncadd.s32 $0xFFFFA000  }
.LBB2_23:
0x174: {  	s6 =	sshll.u32 s8, $0x4  }
0x175: {  	s17 =	simm.s32 $0x0;
	v3 =	vadd.s32 s6, v1  }
0x176: {  	v4 =	vor.u32 s6, v0;
	v6 =	vmov s17;
	v5 =	vshra.s32 v3, $0x1  }
0x177: {  	vm0 =	vlt.u32 v3, $0x180;
	v3 =	vadd.s32 v2, v5;
	v5 =	vshrl.u32 v6, $0x3  }
0x178: {  	v3 =	vsel vm0, v3, v4;
	v4 =	vmul.u32 $0x1800, v5  }
0x179: {  	v5 =	vshll.u32 v3, $0x3  }
0x17a: {  	v3 =	vand.u32 $0x7F, v3;
	v5 =	vand.u32 $0xFFFFFC00, v5;
	v11 =	vbroadcast v4, $0x0  }
0x17b: {  	v3 =	vor.u32 v3, v5  }
0x17c: {  	s17 =	simm.s32 $0x8;
	v4 =	vor.u32 $0x80, v3;
	v10 =	vadd.s32 v3, v11  }
0x17d: {  	v8 =	vmov s17;
	v7 =	vor.u32 $0x200, v3;
	v12 =	vadd.s32 v4, v11  }
0x17e: {  	v9 =	vshrl.u32 v8, $0x3;
	v6 =	vor.u32 $0x380, v3;
	v13 =	vadd.s32 v7, v11  }
0x17f: {  	v16 =	vmul.u32 $0x1800, v9;
	v5 =	vor.u32 $0x300, v3;
	v15 =	vadd.s32 v6, v11  }
0x180: {  	v9 =	vor.u32 $0x100, v3;
	v14 =	vadd.s32 v5, v11  }
0x181: {  	s18 =	sshll.u32 s1, $0x2;
	s29 =	sand.u32 $0x7, s0;
	v21 =	vbroadcast v16, $0x0;
	v8 =	vor.u32 $0x180, v3;
	v19 =	vadd.s32 v9, v11;
	v18 =	vld.idx.msk [tilespmem:v10+s20+$0x0], $0xffff  }
0x182: {  	s6 =	sand.u32 $0xFFFFF000, s18;
	s17 =	sshll.u32 s29, $0x6;
	v17 =	vadd.s32 v8, v11;
	v20 =	vld.idx.msk [tilespmem:v12+s20+$0x0], $0xffff  }
0x183: {  	s6 =	sor.u32 s17, s6;
	s17 =	simm.s32 $0x10;
	v23 =	vadd.s32 v7, v21;
	v12 =	vld.idx.msk [tilespmem:v13+s20+$0x0], $0xffff  }
0x184: {  	v26 =	vadd.s32 v6, v21;
	v10 =	vor.u32 $0x280, v3;
	v22 =	vld.idx.msk [tilespmem:v15+s20+$0x0], $0xffff;
	v15 =	vmov s17  }
0x185: {  	v11 =	vadd.s32 v10, v11;
	v13 =	vld.idx.msk [tilespmem:v14+s20+$0x0], $0xffff;
	v15 =	vshrl.u32 v15, $0x3  }
0x186: {  	v16 =	vadd.s32 v4, v21;
	v27 =	vld.idx.msk [tilespmem:v19+s20+$0x0], $0xffff;
	v19 =	vmul.u32 $0x1800, v15  }
0x187: {  	s6 =	sshrl.u32 s6, $0x2;
	v14 =	vadd.s32 v3, v21;
	v24 =	vld.idx.msk [tilespmem:v17+s20+$0x0], $0xffff  }
0x188: {  	s6 =	sadd.s32 $0x18200, s6;
	v17 =	vadd.s32 v5, v21;
	v25 =	vbroadcast v19, $0x0;
	v19 =	vld.idx.msk [tilespmem:v23+s20+$0x0], $0xffff  }
0x189: {  	[tilespmem:s6+$0xFFFFFE00] =	vst v18;
	v23 =	vld.idx.msk [tilespmem:v26+s20+$0x0], $0xffff  }
0x18a: {  	[tilespmem:s6+$0x0] =	vst v12;
	v18 =	vld.idx.msk [tilespmem:v11+s20+$0x0], $0xffff  }
0x18b: {  	[tilespmem:s6+$0x100] =	vst v13;
	v12 =	vld.idx.msk [tilespmem:v16+s20+$0x0], $0xffff;
	v16 =	vadd.s32 v8, v21  }
0x18c: {  	v15 =	vld.idx.msk [tilespmem:v14+s20+$0x0], $0xffff;
	[tilespmem:s6+$0x180] =	vst v22;
	v11 =	vadd.s32 v9, v21  }
0x18d: {  	[tilespmem:s6+$0xFFFFFE80] =	vst v20;
	v13 =	vadd.s32 v10, v21;
	v17 =	vld.idx.msk [tilespmem:v17+s20+$0x0], $0xffff  }
0x18e: {  	[tilespmem:s6+$0xFFFFFF80] =	vst v24;
	v21 =	vadd.s32 v3, v25;
	v14 =	vadd.s32 v4, v25;
	v20 =	vadd.s32 v9, v25  }
0x18f: {  	[tilespmem:s6+$0xFFFFFF00] =	vst v27;
	v26 =	vadd.s32 v8, v25;
	v24 =	vadd.s32 v7, v25;
	v22 =	vadd.s32 v10, v25  }
.LBB2_24:
0x190: {  	s17 =	sadd.s32 $0x8, s17;
	v27 =	vadd.s32 v5, v25;
	v28 =	vadd.s32 v6, v25;
	v29 =	vld.idx.msk [tilespmem:v16+s20+$0x0], $0xffff;
	[tilespmem:s6+$0x80] =	vst v18;
	s6 =	sadd.s32 $0x1800, s6;
	v16 =	vmov v26  }
0x191: {  	v26 =	vmov v12;
	v18 =	vmov s17;
	p1 =	slt.u32 s17, $0x18;
	[tilespmem:s6+$0xFFFFFE00] =	vst v15;
	v30 =	vld.idx.msk [tilespmem:v11+s20+$0x0], $0xffff;
	v11 =	vmov v20  }
0x192: {  	v12 =	vshrl.u32 v18, $0x3;
	[tilespmem:s6+$0x0] =	vst v19;
	v18 =	vld.idx.msk [tilespmem:v13+s20+$0x0], $0xffff;
	v13 =	vmov v22  }
0x193: {  	v19 =	vmul.u32 $0x1800, v12;
	v15 =	vld.idx.msk [tilespmem:v21+s20+$0x0], $0xffff;
	[tilespmem:s6+$0x100] =	vst v17  }
.Ltmp10:
0x194: {  	v12 =	vld.idx.msk [tilespmem:v14+s20+$0x0], $0xffff;
	[tilespmem:s6+$0x180] =	vst v23;
	(pc) =	sbr.rel @p1 .LBB2_24-.Ltmp10, $4  }
0x195: {  	v25 =	vbroadcast v19, $0x0;
	v19 =	vld.idx.msk [tilespmem:v24+s20+$0x0], $0xffff;
	[tilespmem:s6+$0xFFFFFE80] =	vst v26  }
0x196: {  	v17 =	vld.idx.msk [tilespmem:v27+s20+$0x0], $0xffff;
	[tilespmem:s6+$0xFFFFFF80] =	vst v29  }
0x197: {  	v21 =	vadd.s32 v3, v25;
	v14 =	vadd.s32 v4, v25;
	v20 =	vadd.s32 v9, v25;
	v23 =	vld.idx.msk [tilespmem:v28+s20+$0x0], $0xffff  }
0x198: {  	v26 =	vadd.s32 v8, v25;
	v24 =	vadd.s32 v7, v25;
	v22 =	vadd.s32 v10, v25;
	[tilespmem:s6+$0xFFFFFF00] =	vst v30  }
0x199: {  	_ =	sdelay $0x2  }
0x19a: {  	[tilespmem:s6+$0x80] =	vst v18;
	s29 =	sadd.s32 $0x1800, s6  }
0x19b: {  	v4 =	vld.idx.msk [tilespmem:v16+s20+$0x0], $0xffff;
	[tilespmem:s29+$0xFFFFFE00] =	vst v15  }
0x19c: {  	v58 =	vld.idx.msk [tilespmem:v11+s20+$0x0], $0xffff;
	[tilespmem:s29+$0x0] =	vst v19  }
0x19d: {  	v7 =	vld.idx.msk [tilespmem:v13+s20+$0x0], $0xffff;
	[tilespmem:s29+$0xFFFFFE80] =	vst v12  }
0x19e: {  	v8 =	vld.idx.msk [tilespmem:v21+s20+$0x0], $0xffff;
	[tilespmem:s29+$0x100] =	vst v17  }
0x19f: {  	v3 =	vadd.s32 v5, v25;
	v9 =	vld.idx.msk [tilespmem:v24+s20+$0x0], $0xffff;
	[tilespmem:s29+$0x180] =	vst v23  }
0x1a0: {  	v57 =	vadd.s32 v6, v25;
	v60 =	vld.idx.msk [tilespmem:v14+s20+$0x0], $0xffff;
	[tilespmem:s29+$0xFFFFFF80] =	vst v4  }
0x1a1: {  	v61 =	vld.idx.msk [tilespmem:v26+s20+$0x0], $0xffff;
	[tilespmem:s29+$0xFFFFFF00] =	vst v58  }
0x1a2: {  	v62 =	vld.idx.msk [tilespmem:v20+s20+$0x0], $0xffff;
	s6 =	sadd.s32 $0x1800, s29;
	[tilespmem:s29+$0x80] =	vst v7  }
0x1a3: {  	v63 =	vld.idx.msk [tilespmem:v22+s20+$0x0], $0xffff;
	[tilespmem:s6+$0xFFFFFE00] =	vst v8  }
0x1a4: {  	s8 =	sadd.s32 $0x1, s8;
	v3 =	vld.idx.msk [tilespmem:v3+s20+$0x0], $0xffff;
	[tilespmem:s6+$0x0] =	vst v9  }
0x1a5: {  	p1 =	sne.s32 s8, $0x30;
	v59 =	vld.idx.msk [tilespmem:v57+s20+$0x0], $0xffff;
	[tilespmem:s6+$0xFFFFFE80] =	vst v60  }
.Ltmp11:
0x1a6: {  	[tilespmem:s6+$0xFFFFFF80] =	vst v61;
	(pc) =	sbr.rel @p1 .LBB2_23-.Ltmp11, $4  }
0x1a7: {  	[tilespmem:s6+$0xFFFFFF00] =	vst v62  }
0x1a8: {  	[tilespmem:s6+$0x80] =	vst v63  }
0x1a9: {  	[tilespmem:s6+$0x100] =	vst v3  }
0x1aa: {  	s1 =	sadd.s32 $0x80, s1;
	s0 =	sadd.s32 $0x1, s0;
	[tilespmem:s6+$0x180] =	vst v59  }
0x1ab: {  	s0 =	sadd.s32 @!p0 s15, s7  }
0x1ac: {  	s0 =	sshrl.u32 @!p0 s0, $0x3  }
0x1ad: {  	s0 =	smul.u32 @!p0 $0x300, s0  }
0x1ae: {  	s1 =	simm.s32 @!p0 $0x0  }
0x1af: {  	s6 =	simm.s32 @!p0 $0xC000;
	s30 =	sadd.s32 $0x1, s30;
	s0 =	sadd.s32 @!p0 s2, s0  }
0x1b0: {  	[tilespmem:s6], [sflag:$0x3] =	stream.linear.gather @!p0 [hbm4b:s0+s1], $0x6000, $0x38;
	[tilespmem:$0x1E000] =	vst v63  }
0x1b1: {  	p0 =	sne.s32 s30, $0x8  }
.Ltmp12:
0x1b2: {  	_ = 	snop;
	(pc) =	sbr.rel @p0 .LBB2_2-.Ltmp12, $3  }
0x1b3: {  	_ =	sdelay $0x1  }
0x1b4: {  	s31 =	sadd.s32 s3, s31  }
0x1b5: {  	[hbm4b:s31+s4] =	stream.linear.scatter [tilespmem:s24], [sflag:$0x5], $0x6000, $0x38;
	[tilespmem:$0x1E000] =	vst v63  }
0x1b6: {  	_ =	swait.ge [sflag:s21], $0x6000  }
0x1b7: {  	[sflag:s21] =	ssyncset.done $0x0  }
0x1b8: {  	[sflag:s21] =	ssyncadd.s32 $0xFFFFA000  }
0x1b9: {  	_ =	swait.ge [sflag:s26], $0x6000  }
0x1ba: {  	s0 =	simm.s32 $0x0;
	[sflag:s26] =	ssyncset.done $0x0  }
0x1bb: {  	s1 =	simm.s32 $0x0;
	s7 =	simm.s32 $0x0;
	[sflag:s26] =	ssyncadd.s32 $0xFFFFA000  }
.LBB2_28:
0x1bc: {  	s6 =	sshll.u32 s7, $0x4  }
0x1bd: {  	s8 =	simm.s32 $0x0;
	v3 =	vadd.s32 s6, v1  }
0x1be: {  	v4 =	vor.u32 s6, v0;
	v6 =	vmov s8;
	v5 =	vshra.s32 v3, $0x1  }
0x1bf: {  	vm0 =	vlt.u32 v3, $0x180;
	v3 =	vadd.s32 v2, v5;
	v5 =	vshrl.u32 v6, $0x3  }
0x1c0: {  	v3 =	vsel vm0, v3, v4;
	v4 =	vmul.u32 $0x1800, v5  }
0x1c1: {  	v5 =	vshll.u32 v3, $0x3  }
0x1c2: {  	v3 =	vand.u32 $0x7F, v3;
	v5 =	vand.u32 $0xFFFFFC00, v5;
	v11 =	vbroadcast v4, $0x0  }
0x1c3: {  	v3 =	vor.u32 v3, v5  }
0x1c4: {  	s29 =	simm.s32 $0x8;
	v4 =	vor.u32 $0x80, v3;
	v10 =	vadd.s32 v3, v11  }
0x1c5: {  	v8 =	vmov s29;
	v7 =	vor.u32 $0x200, v3;
	v12 =	vadd.s32 v4, v11  }
0x1c6: {  	v9 =	vshrl.u32 v8, $0x3;
	v6 =	vor.u32 $0x380, v3;
	v13 =	vadd.s32 v7, v11  }
0x1c7: {  	v16 =	vmul.u32 $0x1800, v9;
	v5 =	vor.u32 $0x300, v3;
	v15 =	vadd.s32 v6, v11  }
0x1c8: {  	v9 =	vor.u32 $0x100, v3;
	v14 =	vadd.s32 v5, v11  }
0x1c9: {  	s30 =	sshll.u32 s1, $0x2;
	s31 =	sand.u32 $0x7, s0;
	v21 =	vbroadcast v16, $0x0;
	v8 =	vor.u32 $0x180, v3;
	v19 =	vadd.s32 v9, v11;
	v18 =	vld.idx.msk [tilespmem:v10+s4+$0x0], $0xffff  }
0x1ca: {  	s6 =	sand.u32 $0xFFFFF000, s30;
	s8 =	sshll.u32 s31, $0x6;
	v17 =	vadd.s32 v8, v11;
	v20 =	vld.idx.msk [tilespmem:v12+s4+$0x0], $0xffff  }
0x1cb: {  	s6 =	sor.u32 s8, s6;
	s8 =	simm.s32 $0x10;
	v23 =	vadd.s32 v7, v21;
	v12 =	vld.idx.msk [tilespmem:v13+s4+$0x0], $0xffff  }
0x1cc: {  	v26 =	vadd.s32 v6, v21;
	v10 =	vor.u32 $0x280, v3;
	v22 =	vld.idx.msk [tilespmem:v15+s4+$0x0], $0xffff;
	v15 =	vmov s8  }
0x1cd: {  	v11 =	vadd.s32 v10, v11;
	v13 =	vld.idx.msk [tilespmem:v14+s4+$0x0], $0xffff;
	v15 =	vshrl.u32 v15, $0x3  }
0x1ce: {  	v16 =	vadd.s32 v4, v21;
	v27 =	vld.idx.msk [tilespmem:v19+s4+$0x0], $0xffff;
	v19 =	vmul.u32 $0x1800, v15  }
0x1cf: {  	s6 =	sshrl.u32 s6, $0x2;
	v14 =	vadd.s32 v3, v21;
	v24 =	vld.idx.msk [tilespmem:v17+s4+$0x0], $0xffff  }
0x1d0: {  	s6 =	sadd.s32 $0x12200, s6;
	v17 =	vadd.s32 v5, v21;
	v25 =	vbroadcast v19, $0x0;
	v19 =	vld.idx.msk [tilespmem:v23+s4+$0x0], $0xffff  }
0x1d1: {  	[tilespmem:s6+$0xFFFFFE00] =	vst v18;
	v23 =	vld.idx.msk [tilespmem:v26+s4+$0x0], $0xffff  }
0x1d2: {  	[tilespmem:s6+$0x0] =	vst v12;
	v18 =	vld.idx.msk [tilespmem:v11+s4+$0x0], $0xffff  }
0x1d3: {  	[tilespmem:s6+$0x100] =	vst v13;
	v12 =	vld.idx.msk [tilespmem:v16+s4+$0x0], $0xffff;
	v16 =	vadd.s32 v8, v21  }
0x1d4: {  	v15 =	vld.idx.msk [tilespmem:v14+s4+$0x0], $0xffff;
	[tilespmem:s6+$0x180] =	vst v22;
	v11 =	vadd.s32 v9, v21  }
0x1d5: {  	[tilespmem:s6+$0xFFFFFE80] =	vst v20;
	v13 =	vadd.s32 v10, v21;
	v17 =	vld.idx.msk [tilespmem:v17+s4+$0x0], $0xffff  }
0x1d6: {  	[tilespmem:s6+$0xFFFFFF80] =	vst v24;
	v21 =	vadd.s32 v3, v25;
	v14 =	vadd.s32 v4, v25;
	v20 =	vadd.s32 v9, v25  }
0x1d7: {  	[tilespmem:s6+$0xFFFFFF00] =	vst v27;
	v26 =	vadd.s32 v8, v25;
	v24 =	vadd.s32 v7, v25;
	v22 =	vadd.s32 v10, v25  }
.LBB2_29:
0x1d8: {  	s8 =	sadd.s32 $0x8, s8;
	v27 =	vadd.s32 v5, v25;
	v28 =	vadd.s32 v6, v25;
	v29 =	vld.idx.msk [tilespmem:v16+s4+$0x0], $0xffff;
	[tilespmem:s6+$0x80] =	vst v18;
	s6 =	sadd.s32 $0x1800, s6;
	v16 =	vmov v26  }
0x1d9: {  	v26 =	vmov v12;
	v18 =	vmov s8;
	p0 =	slt.u32 s8, $0x18;
	[tilespmem:s6+$0xFFFFFE00] =	vst v15;
	v30 =	vld.idx.msk [tilespmem:v11+s4+$0x0], $0xffff;
	v11 =	vmov v20  }
0x1da: {  	v12 =	vshrl.u32 v18, $0x3;
	[tilespmem:s6+$0x0] =	vst v19;
	v18 =	vld.idx.msk [tilespmem:v13+s4+$0x0], $0xffff;
	v13 =	vmov v22  }
0x1db: {  	v19 =	vmul.u32 $0x1800, v12;
	v15 =	vld.idx.msk [tilespmem:v21+s4+$0x0], $0xffff;
	[tilespmem:s6+$0x100] =	vst v17  }
.Ltmp13:
0x1dc: {  	v12 =	vld.idx.msk [tilespmem:v14+s4+$0x0], $0xffff;
	[tilespmem:s6+$0x180] =	vst v23;
	(pc) =	sbr.rel @p0 .LBB2_29-.Ltmp13, $4  }
0x1dd: {  	v25 =	vbroadcast v19, $0x0;
	v19 =	vld.idx.msk [tilespmem:v24+s4+$0x0], $0xffff;
	[tilespmem:s6+$0xFFFFFE80] =	vst v26  }
0x1de: {  	v17 =	vld.idx.msk [tilespmem:v27+s4+$0x0], $0xffff;
	[tilespmem:s6+$0xFFFFFF80] =	vst v29  }
0x1df: {  	v21 =	vadd.s32 v3, v25;
	v14 =	vadd.s32 v4, v25;
	v20 =	vadd.s32 v9, v25;
	v23 =	vld.idx.msk [tilespmem:v28+s4+$0x0], $0xffff  }
0x1e0: {  	v26 =	vadd.s32 v8, v25;
	v24 =	vadd.s32 v7, v25;
	v22 =	vadd.s32 v10, v25;
	[tilespmem:s6+$0xFFFFFF00] =	vst v30  }
0x1e1: {  	_ =	sdelay $0x2  }
0x1e2: {  	[tilespmem:s6+$0x80] =	vst v18;
	s31 =	sadd.s32 $0x1800, s6  }
0x1e3: {  	v4 =	vld.idx.msk [tilespmem:v16+s4+$0x0], $0xffff;
	[tilespmem:s31+$0xFFFFFE00] =	vst v15  }
0x1e4: {  	v58 =	vld.idx.msk [tilespmem:v11+s4+$0x0], $0xffff;
	[tilespmem:s31+$0x0] =	vst v19  }
0x1e5: {  	v7 =	vld.idx.msk [tilespmem:v13+s4+$0x0], $0xffff;
	[tilespmem:s31+$0xFFFFFE80] =	vst v12  }
0x1e6: {  	v8 =	vld.idx.msk [tilespmem:v21+s4+$0x0], $0xffff;
	[tilespmem:s31+$0x100] =	vst v17  }
0x1e7: {  	v3 =	vadd.s32 v5, v25;
	v9 =	vld.idx.msk [tilespmem:v24+s4+$0x0], $0xffff;
	[tilespmem:s31+$0x180] =	vst v23  }
0x1e8: {  	v57 =	vadd.s32 v6, v25;
	v60 =	vld.idx.msk [tilespmem:v14+s4+$0x0], $0xffff;
	[tilespmem:s31+$0xFFFFFF80] =	vst v4  }
0x1e9: {  	v61 =	vld.idx.msk [tilespmem:v26+s4+$0x0], $0xffff;
	[tilespmem:s31+$0xFFFFFF00] =	vst v58  }
0x1ea: {  	v62 =	vld.idx.msk [tilespmem:v20+s4+$0x0], $0xffff;
	s6 =	sadd.s32 $0x1800, s31;
	[tilespmem:s31+$0x80] =	vst v7  }
0x1eb: {  	v63 =	vld.idx.msk [tilespmem:v22+s4+$0x0], $0xffff;
	[tilespmem:s6+$0xFFFFFE00] =	vst v8  }
0x1ec: {  	s7 =	sadd.s32 $0x1, s7;
	v3 =	vld.idx.msk [tilespmem:v3+s4+$0x0], $0xffff;
	[tilespmem:s6+$0x0] =	vst v9  }
0x1ed: {  	p0 =	sne.s32 s7, $0x30;
	v59 =	vld.idx.msk [tilespmem:v57+s4+$0x0], $0xffff;
	[tilespmem:s6+$0xFFFFFE80] =	vst v60  }
.Ltmp14:
0x1ee: {  	[tilespmem:s6+$0xFFFFFF80] =	vst v61;
	(pc) =	sbr.rel @p0 .LBB2_28-.Ltmp14, $4  }
0x1ef: {  	[tilespmem:s6+$0xFFFFFF00] =	vst v62  }
0x1f0: {  	[tilespmem:s6+$0x80] =	vst v63  }
0x1f1: {  	[tilespmem:s6+$0x100] =	vst v3  }
0x1f2: {  	s1 =	sadd.s32 $0x80, s1;
	s0 =	sadd.s32 $0x1, s0;
	[tilespmem:s6+$0x180] =	vst v59  }
0x1f3: {  	s0 =	rddreg [dreg:$0x6]  }
0x1f4: {  	[hbm4b:s0+s4] =	stream.linear.scatter [tilespmem:s22], [sflag:$0x4], $0x6000, $0x38;
	[tilespmem:$0x1E000] =	vst v63  }
0x1f5: {  	_ =	swait.ge [sflag:s26], $0x6000  }
0x1f6: {  	[sflag:s26] =	ssyncset.done $0x0  }
0x1f7: {  	[sflag:s26] =	ssyncadd.s32 $0xFFFFA000  }
0x1f8: {  	_ =	swait.ge [sflag:s28], $0x6000  }
0x1f9: {  	s1 =	rddreg [dreg:$0x8]  }
0x1fa: {  	s31 =	rddreg [dreg:$0x7];
	s1 =	sadd.s32 $0x1, s1  }
0x1fb: {  	p0 =	sne.s32 s1, s31  }
.Ltmp15:
0x1fc: {  	_ = 	snop;
	(pc) =	sbr.rel @p0 .LBB2_1-.Ltmp15, $3  }
0x1fd: {  	_ =	sdelay $0x1  }
0x1fe: {  	[sflag:s28] =	ssyncset.done $0x0  }
0x1ff: {  	[sflag:s28] =	ssyncadd.s32 $0xFFFFA000  }
0x200: {  	_ =	sfence.sel $0x180000  }
0x201: {  	[bflag:$0x0] =	sbarrier.arrive $0xFFFF  }
0x202: {  	_ =	strace $0x90000047  }
0x203: {  	s0 =	stileid.u32;
	[bflag:$0x2] =	sbarrier.arrive $0xFFFF  }
0x204: {  	p0 =	sne.s32 s0, $0x0;
	s0 =	rddreg [dreg:$0x2]  }
0x205: {  	s0 =	sadd.s32 @!p0 $0x100000, s0  }
0x206: {  	[sflag:s0] =	ssyncadd.tile.s32 @!p0 $0x1;
	_ =	shalt  }
.Lfunc_end2:
_tile_overlayer_lowered:
.L_overlay_start_2:
0x207: {  	(tag) =	ssettag $0x2  }
0x208: {  	s0 =	rddreg [dreg:$0x0];
	s2 =	stileid.u32  }
0x209: {  	s1 =	rddreg [dreg:$0x1];
	p0 =	sne.s32 s2, $0x0  }
0x20a: {  	s3 =	rddreg [dreg:$0x2];
	[bflag:$0x3] =	sbarrier.arrive $0xFFFF;
	s2 =	simm.s32 @!p0 $0x1C06  }
0x20b: {  	[timem:s3], [sflag:s2] =	dma.local @!p0 [hbm:s0], s1  }
0x20c: {  	s0 =	simm.s32 @!p0 $0x6  }
0x20d: {  	_ =	swait.ge @!p0 [sflag:s0], s1  }
0x20e: {  	s1 =	ssub.s32 @!p0 $0x0, s1;
	[sflag:s0] =	ssyncset.done @!p0 $0x0  }
0x20f: {  	[sflag:s0] =	ssyncadd.s32 @!p0 s1  }
0x210: {  	[bflag:$0x3] =	sbarrier.arrive $0xFFFF  }
0x211: {  	_ =	shalt  }

</sc_bundles>
